<compile_context>
chip_gen: v7x
topology: tpu7x:2x2x1
jax: 0.10.2.dev20260603
libtpu: 0.0.44.dev20260713+nightly
codegen_flags: <defaults>
</compile_context>

<pallas_src>
import jax
import jax.numpy as jnp
from jax import lax
from jax.experimental import pallas as pl
from jax.experimental.pallas import tpu as pltpu
from jax.experimental.pallas import tpu_sc as plsc

B, L, D = 4096, 200, 128
N = B * L
NC, NS = 2, 16
NW = NC * NS
PER_W = N // NW
AV, NV = 121, 17
NCOMB = AV * NV
ROWS_W = 65
NCOMB_PAD = ROWS_W * NW
CH = 128
NCHUNK = PER_W // CH
NBUF = 4


def _mesh():
    return plsc.VectorSubcoreMesh(core_axis_name="c", subcore_axis_name="s")


def _wid():
    return lax.axis_index("s") * NC + lax.axis_index("c")


def _build_body(at_hbm, nt_hbm, comb_hbm, at_v, nt_v, buf):
    w = _wid()
    start = w * ROWS_W

    pltpu.sync_copy(at_hbm, at_v)
    pltpu.sync_copy(nt_hbm, nt_v)

    zeros_f = jnp.zeros((16,), jnp.float32)
    for k in range(8):
        at_v[pl.ds(k * 16, 16)] = zeros_f
        nt_v[pl.ds(k * 16, 16)] = zeros_f

    @pl.loop(0, ROWS_W)
    def _row(ri):
        r = start + ri

        @pl.when(r < NCOMB)
        def _():
            a = r // NV
            n = r - a * NV
            for k in range(8):
                va = at_v[pl.ds(a * D + k * 16, 16)]
                vn = nt_v[pl.ds(n * D + k * 16, 16)]
                buf[pl.ds(ri * D + k * 16, 16)] = va + vn

    pltpu.sync_copy(buf, comb_hbm.at[pl.ds(start * D, ROWS_W * D)])


def _gather_body(atoms_hbm, neigh_hbm, comb_hbm, out_hbm,
                 ia_v, in_v, r0, r1, r2, r3, g0, g1, g2, g3, o0, o1, o2, o3):
    rows = (r0, r1, r2, r3)
    gsem = (g0, g1, g2, g3)
    osem = (o0, o1, o2, o3)

    w = _wid()
    base = w * PER_W

    pltpu.sync_copy(atoms_hbm.at[pl.ds(base, PER_W)], ia_v)
    pltpu.sync_copy(neigh_hbm.at[pl.ds(base, PER_W)], in_v)

    @pl.loop(0, PER_W // 16)
    def _fold(i):
        off = i * 16
        ia_v[pl.ds(off, 16)] = ia_v[pl.ds(off, 16)] * NV + in_v[pl.ds(off, 16)]

    def start_gather(ci, b):
        idxs = ia_v.at[pl.ds(ci * CH, CH)]
        pltpu.async_copy(comb_hbm.at[idxs], rows[b], gsem[b])

    def wait_gather(b):
        pltpu.make_async_copy(comb_hbm.at[pl.ds(0, CH)], rows[b],
                              gsem[b]).wait()

    def start_out(ci, b):
        dst = out_hbm.at[pl.ds(base + ci * CH, CH)]
        pltpu.async_copy(rows[b], dst, osem[b])

    def wait_out(b):
        pltpu.make_async_copy(rows[b], out_hbm.at[pl.ds(0, CH)],
                              osem[b]).wait()

    start_gather(0, 0)
    start_gather(1, 1)

    @pl.loop(0, NCHUNK // NBUF)
    def _quad(k):
        for j in range(NBUF):
            ci = k * NBUF + j
            b = j
            b2 = (j + 2) % NBUF
            ci2 = ci + 2

            @pl.when(ci2 >= NBUF)
            def _():
                wait_out(b2)

            @pl.when(ci2 < NCHUNK)
            def _():
                start_gather(ci2, b2)

            wait_gather(b)
            start_out(ci, b)

    wait_out((NCHUNK - 2) % NBUF)
    wait_out((NCHUNK - 1) % NBUF)


@jax.jit
def _run(atoms_flat, neigh_flat, at_flat, nt_flat):
    build = pl.kernel(
        _build_body,
        out_type=jax.ShapeDtypeStruct((NCOMB_PAD * D,), jnp.float32),
        mesh=_mesh(),
        compiler_params=pltpu.CompilerParams(needs_layout_passes=False),
        scratch_types=[
            pltpu.VMEM((AV * D,), jnp.float32),
            pltpu.VMEM((NV * D,), jnp.float32),
            pltpu.VMEM((ROWS_W * D,), jnp.float32),
        ],
    )
    comb = build(at_flat, nt_flat).reshape(NCOMB_PAD, D)

    gather = pl.kernel(
        _gather_body,
        out_type=jax.ShapeDtypeStruct((N, D), jnp.float32),
        mesh=_mesh(),
        compiler_params=pltpu.CompilerParams(needs_layout_passes=False),
        scratch_types=[
            pltpu.VMEM((PER_W,), jnp.int32),
            pltpu.VMEM((PER_W,), jnp.int32),
            pltpu.VMEM((CH, D), jnp.float32),
            pltpu.VMEM((CH, D), jnp.float32),
            pltpu.VMEM((CH, D), jnp.float32),
            pltpu.VMEM((CH, D), jnp.float32),
            pltpu.SemaphoreType.DMA,
            pltpu.SemaphoreType.DMA,
            pltpu.SemaphoreType.DMA,
            pltpu.SemaphoreType.DMA,
            pltpu.SemaphoreType.DMA,
            pltpu.SemaphoreType.DMA,
            pltpu.SemaphoreType.DMA,
            pltpu.SemaphoreType.DMA,
        ],
    )
    return gather(atoms_flat, neigh_flat, comb)


def kernel(atoms, neighbors, atoms_table, neighbors_table):
    out = _run(atoms.reshape(N), neighbors.reshape(N),
               atoms_table.reshape(AV * D), neighbors_table.reshape(NV * D))
    return out.reshape(B, L, D)

# --- scband reference (transcript-rebuilt; emitter-appended) ---
"""Pipeline reference for scband-embedding-bag-65274912965327 (READ-ONLY COPY).

The authoritative reference and input builder live on the scoring server;
editing this copy changes nothing except your own understanding.
"""

import jax, jax.numpy as jnp
import numpy as np

B, L, D = 4096, 200, 128
MAX_TOKENS = 121
NEIGHBOR_VOCAB = 14 + 3

def setup_inputs(seed: int = 0) -> dict:
    key = jax.random.key(seed)
    k1, k2, k3, k4 = jax.random.split(key, 4)
    atoms = jax.random.randint(k1, (B, L), 0, MAX_TOKENS)
    neighbors = jax.random.randint(k2, (B, L), 0, NEIGHBOR_VOCAB)
    atoms_table = jax.random.normal(k3, (MAX_TOKENS, D), dtype=jnp.float32)
    neighbors_table = jax.random.normal(k4, (NEIGHBOR_VOCAB, D), dtype=jnp.float32)
    return {"atoms": atoms, "neighbors": neighbors, "atoms_table": atoms_table, "neighbors_table": neighbors_table}

def reference(atoms, neighbors, atoms_table, neighbors_table):
    # padding_idx=0 in both nn.Embedding tables -> row 0 embeds to zeros
    at = atoms_table.at[0].set(0.0)
    nt = neighbors_table.at[0].set(0.0)
    x = jnp.take(at, atoms, axis=0) + jnp.take(nt, neighbors, axis=0)
    # perturbation=0.0 and eval mode -> no noise added
    return x

if __name__ == "__main__":
    import jax
    _d = setup_inputs()
    print(jax.jit(kernel)(*tuple(_d.values())))

</pallas_src>

<mosaic_0001>
#map = affine_map<(d0, d1) -> (0)>
module attributes {stable_mosaic.version = 14 : i64} {
  func.func @_build_body(%arg0: i32, %arg1: i32, %arg2: memref<15488xf32, #tpu.memory_space<hbm>>, %arg3: memref<2176xf32, #tpu.memory_space<hbm>>, %arg4: memref<266240xf32, #tpu.memory_space<hbm>>, %arg5: memref<15488xf32, #tpu.memory_space<vmem>>, %arg6: memref<2176xf32, #tpu.memory_space<vmem>>, %arg7: memref<8320xf32, #tpu.memory_space<vmem>>) attributes {dimension_semantics = [#tpu.dimension_semantics<core_parallel>, #tpu.dimension_semantics<subcore_parallel>], iteration_bounds = array<i64: 2, 16>, scalar_prefetch = 0 : i64, scratch_operands = 3 : i64, tpu.core_type = #tpu.core_type<sc_vector_subcore>, window_params = [{transform_indices = #map}, {transform_indices = #map}, {transform_indices = #map}]} {
    %mul3A = arith.constant 2 : i32
    %mul3A_0 = arith.muli %arg1, %mul3A : i32
    %add3A = arith.addi %mul3A_0, %arg0 : i32
    %mul3A_1 = arith.constant 65 : i32
    %mul3A_2 = arith.muli %add3A, %mul3A_1 : i32
    "tpu.region"() ({
      %run_scoped3A = tpu.sem_alloc : memref<!tpu.dma_semaphore, #tpu.memory_space<semaphore_mem>>
      tpu.enqueue_dma source(%arg2 : memref<15488xf32, #tpu.memory_space<hbm>>) target(%arg5 : memref<15488xf32, #tpu.memory_space<vmem>>) target_semaphore(%run_scoped3A : memref<!tpu.dma_semaphore, #tpu.memory_space<semaphore_mem>>)
      tpu.wait_dma2 semaphore(%run_scoped3A : memref<!tpu.dma_semaphore, #tpu.memory_space<semaphore_mem>>) src(%arg2 : memref<15488xf32, #tpu.memory_space<hbm>>) dst(%arg5 : memref<15488xf32, #tpu.memory_space<vmem>>)
      tpu.yield
    }) : () -> ()
    "tpu.region"() ({
      %run_scoped3A = tpu.sem_alloc : memref<!tpu.dma_semaphore, #tpu.memory_space<semaphore_mem>>
      tpu.enqueue_dma source(%arg3 : memref<2176xf32, #tpu.memory_space<hbm>>) target(%arg6 : memref<2176xf32, #tpu.memory_space<vmem>>) target_semaphore(%run_scoped3A : memref<!tpu.dma_semaphore, #tpu.memory_space<semaphore_mem>>)
      tpu.wait_dma2 semaphore(%run_scoped3A : memref<!tpu.dma_semaphore, #tpu.memory_space<semaphore_mem>>) src(%arg3 : memref<2176xf32, #tpu.memory_space<hbm>>) dst(%arg6 : memref<2176xf32, #tpu.memory_space<vmem>>)
      tpu.yield
    }) : () -> ()
    %broadcast_in_dim3A = arith.constant 0.000000e+00 : f32
    %broadcast_in_dim3A_3 = vector.broadcast %broadcast_in_dim3A : f32 to vector<16xf32>
    %swap3A = arith.constant 0 : index
    %swap3A_4 = tpu.vector_load %arg5[%swap3A] {strides = array<i32>} : memref<15488xf32, #tpu.memory_space<vmem>>, vector<16xf32>,
    tpu.vector_store %arg5[%swap3A], %broadcast_in_dim3A_3 {strides = array<i32>} : memref<15488xf32, #tpu.memory_space<vmem>>, vector<16xf32>,
    %swap3A_5 = arith.constant 0 : index
    %swap3A_6 = tpu.vector_load %arg6[%swap3A_5] {strides = array<i32>} : memref<2176xf32, #tpu.memory_space<vmem>>, vector<16xf32>,
    tpu.vector_store %arg6[%swap3A_5], %broadcast_in_dim3A_3 {strides = array<i32>} : memref<2176xf32, #tpu.memory_space<vmem>>, vector<16xf32>,
    %swap3A_7 = arith.constant 16 : index
    %swap3A_8 = tpu.vector_load %arg5[%swap3A_7] {strides = array<i32>} : memref<15488xf32, #tpu.memory_space<vmem>>, vector<16xf32>,
    tpu.vector_store %arg5[%swap3A_7], %broadcast_in_dim3A_3 {strides = array<i32>} : memref<15488xf32, #tpu.memory_space<vmem>>, vector<16xf32>,
    %swap3A_9 = arith.constant 16 : index
    %swap3A_10 = tpu.vector_load %arg6[%swap3A_9] {strides = array<i32>} : memref<2176xf32, #tpu.memory_space<vmem>>, vector<16xf32>,
    tpu.vector_store %arg6[%swap3A_9], %broadcast_in_dim3A_3 {strides = array<i32>} : memref<2176xf32, #tpu.memory_space<vmem>>, vector<16xf32>,
    %swap3A_11 = arith.constant 32 : index
    %swap3A_12 = tpu.vector_load %arg5[%swap3A_11] {strides = array<i32>} : memref<15488xf32, #tpu.memory_space<vmem>>, vector<16xf32>,
    tpu.vector_store %arg5[%swap3A_11], %broadcast_in_dim3A_3 {strides = array<i32>} : memref<15488xf32, #tpu.memory_space<vmem>>, vector<16xf32>,
    %swap3A_13 = arith.constant 32 : index
    %swap3A_14 = tpu.vector_load %arg6[%swap3A_13] {strides = array<i32>} : memref<2176xf32, #tpu.memory_space<vmem>>, vector<16xf32>,
    tpu.vector_store %arg6[%swap3A_13], %broadcast_in_dim3A_3 {strides = array<i32>} : memref<2176xf32, #tpu.memory_space<vmem>>, vector<16xf32>,
    %swap3A_15 = arith.constant 48 : index
    %swap3A_16 = tpu.vector_load %arg5[%swap3A_15] {strides = array<i32>} : memref<15488xf32, #tpu.memory_space<vmem>>, vector<16xf32>,
    tpu.vector_store %arg5[%swap3A_15], %broadcast_in_dim3A_3 {strides = array<i32>} : memref<15488xf32, #tpu.memory_space<vmem>>, vector<16xf32>,
    %swap3A_17 = arith.constant 48 : index
    %swap3A_18 = tpu.vector_load %arg6[%swap3A_17] {strides = array<i32>} : memref<2176xf32, #tpu.memory_space<vmem>>, vector<16xf32>,
    tpu.vector_store %arg6[%swap3A_17], %broadcast_in_dim3A_3 {strides = array<i32>} : memref<2176xf32, #tpu.memory_space<vmem>>, vector<16xf32>,
    %swap3A_19 = arith.constant 64 : index
    %swap3A_20 = tpu.vector_load %arg5[%swap3A_19] {strides = array<i32>} : memref<15488xf32, #tpu.memory_space<vmem>>, vector<16xf32>,
    tpu.vector_store %arg5[%swap3A_19], %broadcast_in_dim3A_3 {strides = array<i32>} : memref<15488xf32, #tpu.memory_space<vmem>>, vector<16xf32>,
    %swap3A_21 = arith.constant 64 : index
    %swap3A_22 = tpu.vector_load %arg6[%swap3A_21] {strides = array<i32>} : memref<2176xf32, #tpu.memory_space<vmem>>, vector<16xf32>,
    tpu.vector_store %arg6[%swap3A_21], %broadcast_in_dim3A_3 {strides = array<i32>} : memref<2176xf32, #tpu.memory_space<vmem>>, vector<16xf32>,
    %swap3A_23 = arith.constant 80 : index
    %swap3A_24 = tpu.vector_load %arg5[%swap3A_23] {strides = array<i32>} : memref<15488xf32, #tpu.memory_space<vmem>>, vector<16xf32>,
    tpu.vector_store %arg5[%swap3A_23], %broadcast_in_dim3A_3 {strides = array<i32>} : memref<15488xf32, #tpu.memory_space<vmem>>, vector<16xf32>,
    %swap3A_25 = arith.constant 80 : index
    %swap3A_26 = tpu.vector_load %arg6[%swap3A_25] {strides = array<i32>} : memref<2176xf32, #tpu.memory_space<vmem>>, vector<16xf32>,
    tpu.vector_store %arg6[%swap3A_25], %broadcast_in_dim3A_3 {strides = array<i32>} : memref<2176xf32, #tpu.memory_space<vmem>>, vector<16xf32>,
    %swap3A_27 = arith.constant 96 : index
    %swap3A_28 = tpu.vector_load %arg5[%swap3A_27] {strides = array<i32>} : memref<15488xf32, #tpu.memory_space<vmem>>, vector<16xf32>,
    tpu.vector_store %arg5[%swap3A_27], %broadcast_in_dim3A_3 {strides = array<i32>} : memref<15488xf32, #tpu.memory_space<vmem>>, vector<16xf32>,
    %swap3A_29 = arith.constant 96 : index
    %swap3A_30 = tpu.vector_load %arg6[%swap3A_29] {strides = array<i32>} : memref<2176xf32, #tpu.memory_space<vmem>>, vector<16xf32>,
    tpu.vector_store %arg6[%swap3A_29], %broadcast_in_dim3A_3 {strides = array<i32>} : memref<2176xf32, #tpu.memory_space<vmem>>, vector<16xf32>,
    %swap3A_31 = arith.constant 112 : index
    %swap3A_32 = tpu.vector_load %arg5[%swap3A_31] {strides = array<i32>} : memref<15488xf32, #tpu.memory_space<vmem>>, vector<16xf32>,
    tpu.vector_store %arg5[%swap3A_31], %broadcast_in_dim3A_3 {strides = array<i32>} : memref<15488xf32, #tpu.memory_space<vmem>>, vector<16xf32>,
    %swap3A_33 = arith.constant 112 : index
    %swap3A_34 = tpu.vector_load %arg6[%swap3A_33] {strides = array<i32>} : memref<2176xf32, #tpu.memory_space<vmem>>, vector<16xf32>,
    tpu.vector_store %arg6[%swap3A_33], %broadcast_in_dim3A_3 {strides = array<i32>} : memref<2176xf32, #tpu.memory_space<vmem>>, vector<16xf32>,
    %scan3A = arith.constant 0 : i32
    %scan3A_35 = arith.constant 65 : i32
    %scan3A_36 = arith.addi %scan3A, %scan3A_35 : i32
    %scan3A_37 = arith.constant 1 : i32
    scf.for %scan3A_41 = %scan3A to %scan3A_36 step %scan3A_37  : i32 {
      %mul3A_42 = arith.constant 1 : i32
      %mul3A_43 = arith.muli %scan3A_41, %mul3A_42 : i32
      %add3A_44 = arith.constant 0 : i32
      %add3A_45 = arith.addi %add3A_44, %mul3A_43 : i32
      %add3A_46 = arith.addi %mul3A_2, %add3A_45 : i32
      %lt3A = arith.constant 2057 : i32
      %lt3A_47 = arith.cmpi slt, %add3A_46, %lt3A : i32
      %convert_element_type3A = arith.extui %lt3A_47 : i1 to i32
      %cond3A = arith.constant 0 : i32
      %cond3A_48 = arith.cmpi ne, %convert_element_type3A, %cond3A : i32
      scf.if %cond3A_48 {
        %jit3A = arith.constant 17 : i32
        %div3A = arith.divsi %add3A_46, %jit3A : i32
        %sign3A = arith.constant 0 : i32
        %sign3A_49 = arith.cmpi sgt, %add3A_46, %sign3A : i32
        %sign3A_50 = arith.extui %sign3A_49 : i1 to i32
        %sign3A_51 = arith.constant 0 : i32
        %sign3A_52 = arith.cmpi slt, %add3A_46, %sign3A_51 : i32
        %sign3A_53 = arith.extui %sign3A_52 : i1 to i32
        %sign3A_54 = arith.subi %sign3A_50, %sign3A_53 : i32
        %sign3A_55 = arith.constant 0 : i32
        %sign3A_56 = arith.cmpi sgt, %jit3A, %sign3A_55 : i32
        %sign3A_57 = arith.extui %sign3A_56 : i1 to i32
        %sign3A_58 = arith.constant 0 : i32
        %sign3A_59 = arith.cmpi slt, %jit3A, %sign3A_58 : i32
        %sign3A_60 = arith.extui %sign3A_59 : i1 to i32
        %sign3A_61 = arith.subi %sign3A_57, %sign3A_60 : i32
        %ne3A = arith.cmpi ne, %sign3A_54, %sign3A_61 : i32
        %rem3A = arith.remsi %add3A_46, %jit3A : i32
        %ne3A_62 = arith.constant 0 : i32
        %ne3A_63 = arith.cmpi ne, %rem3A, %ne3A_62 : i32
        %and3A = arith.andi %ne3A, %ne3A_63 : i1
        %sub3A = arith.constant 1 : i32
        %sub3A_64 = arith.subi %div3A, %sub3A : i32
        %select_n3A = arith.select %and3A, %sub3A_64, %div3A : i32
        %mul3A_65 = arith.constant 17 : i32
        %mul3A_66 = arith.muli %select_n3A, %mul3A_65 : i32
        %sub3A_67 = arith.subi %add3A_46, %mul3A_66 : i32
        %mul3A_68 = arith.constant 128 : i32
        %mul3A_69 = arith.muli %select_n3A, %mul3A_68 : i32
        %add3A_70 = arith.constant 0 : i32
        %add3A_71 = arith.addi %mul3A_69, %add3A_70 : i32
        %get3A = arith.index_cast %add3A_71 : i32 to index
        %get3A_72 = tpu.vector_load %arg5[%get3A] {strides = array<i32>} : memref<15488xf32, #tpu.memory_space<vmem>>, vector<16xf32>,
        %mul3A_73 = arith.constant 128 : i32
        %mul3A_74 = arith.muli %sub3A_67, %mul3A_73 : i32
        %add3A_75 = arith.constant 0 : i32
        %add3A_76 = arith.addi %mul3A_74, %add3A_75 : i32
        %get3A_77 = arith.index_cast %add3A_76 : i32 to index
        %get3A_78 = tpu.vector_load %arg6[%get3A_77] {strides = array<i32>} : memref<2176xf32, #tpu.memory_space<vmem>>, vector<16xf32>,
        %add3A_79 = arith.addf %get3A_72, %get3A_78 : vector<16xf32>
        %mul3A_80 = arith.constant 128 : i32
        %mul3A_81 = arith.muli %add3A_45, %mul3A_80 : i32
        %add3A_82 = arith.constant 0 : i32
        %add3A_83 = arith.addi %mul3A_81, %add3A_82 : i32
        %swap3A_84 = arith.index_cast %add3A_83 : i32 to index
        %swap3A_85 = tpu.vector_load %arg7[%swap3A_84] {strides = array<i32>} : memref<8320xf32, #tpu.memory_space<vmem>>, vector<16xf32>,
        tpu.vector_store %arg7[%swap3A_84], %add3A_79 {strides = array<i32>} : memref<8320xf32, #tpu.memory_space<vmem>>, vector<16xf32>,
        %mul3A_86 = arith.constant 128 : i32
        %mul3A_87 = arith.muli %select_n3A, %mul3A_86 : i32
        %add3A_88 = arith.constant 16 : i32
        %add3A_89 = arith.addi %mul3A_87, %add3A_88 : i32
        %get3A_90 = arith.index_cast %add3A_89 : i32 to index
        %get3A_91 = tpu.vector_load %arg5[%get3A_90] {strides = array<i32>} : memref<15488xf32, #tpu.memory_space<vmem>>, vector<16xf32>,
        %mul3A_92 = arith.constant 128 : i32
        %mul3A_93 = arith.muli %sub3A_67, %mul3A_92 : i32
        %add3A_94 = arith.constant 16 : i32
        %add3A_95 = arith.addi %mul3A_93, %add3A_94 : i32
        %get3A_96 = arith.index_cast %add3A_95 : i32 to index
        %get3A_97 = tpu.vector_load %arg6[%get3A_96] {strides = array<i32>} : memref<2176xf32, #tpu.memory_space<vmem>>, vector<16xf32>,
        %add3A_98 = arith.addf %get3A_91, %get3A_97 : vector<16xf32>
        %mul3A_99 = arith.constant 128 : i32
        %mul3A_100 = arith.muli %add3A_45, %mul3A_99 : i32
        %add3A_101 = arith.constant 16 : i32
        %add3A_102 = arith.addi %mul3A_100, %add3A_101 : i32
        %swap3A_103 = arith.index_cast %add3A_102 : i32 to index
        %swap3A_104 = tpu.vector_load %arg7[%swap3A_103] {strides = array<i32>} : memref<8320xf32, #tpu.memory_space<vmem>>, vector<16xf32>,
        tpu.vector_store %arg7[%swap3A_103], %add3A_98 {strides = array<i32>} : memref<8320xf32, #tpu.memory_space<vmem>>, vector<16xf32>,
        %mul3A_105 = arith.constant 128 : i32
        %mul3A_106 = arith.muli %select_n3A, %mul3A_105 : i32
        %add3A_107 = arith.constant 32 : i32
        %add3A_108 = arith.addi %mul3A_106, %add3A_107 : i32
        %get3A_109 = arith.index_cast %add3A_108 : i32 to index
        %get3A_110 = tpu.vector_load %arg5[%get3A_109] {strides = array<i32>} : memref<15488xf32, #tpu.memory_space<vmem>>, vector<16xf32>,
        %mul3A_111 = arith.constant 128 : i32
        %mul3A_112 = arith.muli %sub3A_67, %mul3A_111 : i32
        %add3A_113 = arith.constant 32 : i32
        %add3A_114 = arith.addi %mul3A_112, %add3A_113 : i32
        %get3A_115 = arith.index_cast %add3A_114 : i32 to index
        %get3A_116 = tpu.vector_load %arg6[%get3A_115] {strides = array<i32>} : memref<2176xf32, #tpu.memory_space<vmem>>, vector<16xf32>,
        %add3A_117 = arith.addf %get3A_110, %get3A_116 : vector<16xf32>
        %mul3A_118 = arith.constant 128 : i32
        %mul3A_119 = arith.muli %add3A_45, %mul3A_118 : i32
        %add3A_120 = arith.constant 32 : i32
        %add3A_121 = arith.addi %mul3A_119, %add3A_120 : i32
        %swap3A_122 = arith.index_cast %add3A_121 : i32 to index
        %swap3A_123 = tpu.vector_load %arg7[%swap3A_122] {strides = array<i32>} : memref<8320xf32, #tpu.memory_space<vmem>>, vector<16xf32>,
        tpu.vector_store %arg7[%swap3A_122], %add3A_117 {strides = array<i32>} : memref<8320xf32, #tpu.memory_space<vmem>>, vector<16xf32>,
        %mul3A_124 = arith.constant 128 : i32
        %mul3A_125 = arith.muli %select_n3A, %mul3A_124 : i32
        %add3A_126 = arith.constant 48 : i32
        %add3A_127 = arith.addi %mul3A_125, %add3A_126 : i32
        %get3A_128 = arith.index_cast %add3A_127 : i32 to index
        %get3A_129 = tpu.vector_load %arg5[%get3A_128] {strides = array<i32>} : memref<15488xf32, #tpu.memory_space<vmem>>, vector<16xf32>,
        %mul3A_130 = arith.constant 128 : i32
        %mul3A_131 = arith.muli %sub3A_67, %mul3A_130 : i32
        %add3A_132 = arith.constant 48 : i32
        %add3A_133 = arith.addi %mul3A_131, %add3A_132 : i32
        %get3A_134 = arith.index_cast %add3A_133 : i32 to index
        %get3A_135 = tpu.vector_load %arg6[%get3A_134] {strides = array<i32>} : memref<2176xf32, #tpu.memory_space<vmem>>, vector<16xf32>,
        %add3A_136 = arith.addf %get3A_129, %get3A_135 : vector<16xf32>
        %mul3A_137 = arith.constant 128 : i32
        %mul3A_138 = arith.muli %add3A_45, %mul3A_137 : i32
        %add3A_139 = arith.constant 48 : i32
        %add3A_140 = arith.addi %mul3A_138, %add3A_139 : i32
        %swap3A_141 = arith.index_cast %add3A_140 : i32 to index
        %swap3A_142 = tpu.vector_load %arg7[%swap3A_141] {strides = array<i32>} : memref<8320xf32, #tpu.memory_space<vmem>>, vector<16xf32>,
        tpu.vector_store %arg7[%swap3A_141], %add3A_136 {strides = array<i32>} : memref<8320xf32, #tpu.memory_space<vmem>>, vector<16xf32>,
        %mul3A_143 = arith.constant 128 : i32
        %mul3A_144 = arith.muli %select_n3A, %mul3A_143 : i32
        %add3A_145 = arith.constant 64 : i32
        %add3A_146 = arith.addi %mul3A_144, %add3A_145 : i32
        %get3A_147 = arith.index_cast %add3A_146 : i32 to index
        %get3A_148 = tpu.vector_load %arg5[%get3A_147] {strides = array<i32>} : memref<15488xf32, #tpu.memory_space<vmem>>, vector<16xf32>,
        %mul3A_149 = arith.constant 128 : i32
        %mul3A_150 = arith.muli %sub3A_67, %mul3A_149 : i32
        %add3A_151 = arith.constant 64 : i32
        %add3A_152 = arith.addi %mul3A_150, %add3A_151 : i32
        %get3A_153 = arith.index_cast %add3A_152 : i32 to index
        %get3A_154 = tpu.vector_load %arg6[%get3A_153] {strides = array<i32>} : memref<2176xf32, #tpu.memory_space<vmem>>, vector<16xf32>,
        %add3A_155 = arith.addf %get3A_148, %get3A_154 : vector<16xf32>
        %mul3A_156 = arith.constant 128 : i32
        %mul3A_157 = arith.muli %add3A_45, %mul3A_156 : i32
        %add3A_158 = arith.constant 64 : i32
        %add3A_159 = arith.addi %mul3A_157, %add3A_158 : i32
        %swap3A_160 = arith.index_cast %add3A_159 : i32 to index
        %swap3A_161 = tpu.vector_load %arg7[%swap3A_160] {strides = array<i32>} : memref<8320xf32, #tpu.memory_space<vmem>>, vector<16xf32>,
        tpu.vector_store %arg7[%swap3A_160], %add3A_155 {strides = array<i32>} : memref<8320xf32, #tpu.memory_space<vmem>>, vector<16xf32>,
        %mul3A_162 = arith.constant 128 : i32
        %mul3A_163 = arith.muli %select_n3A, %mul3A_162 : i32
        %add3A_164 = arith.constant 80 : i32
        %add3A_165 = arith.addi %mul3A_163, %add3A_164 : i32
        %get3A_166 = arith.index_cast %add3A_165 : i32 to index
        %get3A_167 = tpu.vector_load %arg5[%get3A_166] {strides = array<i32>} : memref<15488xf32, #tpu.memory_space<vmem>>, vector<16xf32>,
        %mul3A_168 = arith.constant 128 : i32
        %mul3A_169 = arith.muli %sub3A_67, %mul3A_168 : i32
        %add3A_170 = arith.constant 80 : i32
        %add3A_171 = arith.addi %mul3A_169, %add3A_170 : i32
        %get3A_172 = arith.index_cast %add3A_171 : i32 to index
        %get3A_173 = tpu.vector_load %arg6[%get3A_172] {strides = array<i32>} : memref<2176xf32, #tpu.memory_space<vmem>>, vector<16xf32>,
        %add3A_174 = arith.addf %get3A_167, %get3A_173 : vector<16xf32>
        %mul3A_175 = arith.constant 128 : i32
        %mul3A_176 = arith.muli %add3A_45, %mul3A_175 : i32
        %add3A_177 = arith.constant 80 : i32
        %add3A_178 = arith.addi %mul3A_176, %add3A_177 : i32
        %swap3A_179 = arith.index_cast %add3A_178 : i32 to index
        %swap3A_180 = tpu.vector_load %arg7[%swap3A_179] {strides = array<i32>} : memref<8320xf32, #tpu.memory_space<vmem>>, vector<16xf32>,
        tpu.vector_store %arg7[%swap3A_179], %add3A_174 {strides = array<i32>} : memref<8320xf32, #tpu.memory_space<vmem>>, vector<16xf32>,
        %mul3A_181 = arith.constant 128 : i32
        %mul3A_182 = arith.muli %select_n3A, %mul3A_181 : i32
        %add3A_183 = arith.constant 96 : i32
        %add3A_184 = arith.addi %mul3A_182, %add3A_183 : i32
        %get3A_185 = arith.index_cast %add3A_184 : i32 to index
        %get3A_186 = tpu.vector_load %arg5[%get3A_185] {strides = array<i32>} : memref<15488xf32, #tpu.memory_space<vmem>>, vector<16xf32>,
        %mul3A_187 = arith.constant 128 : i32
        %mul3A_188 = arith.muli %sub3A_67, %mul3A_187 : i32
        %add3A_189 = arith.constant 96 : i32
        %add3A_190 = arith.addi %mul3A_188, %add3A_189 : i32
        %get3A_191 = arith.index_cast %add3A_190 : i32 to index
        %get3A_192 = tpu.vector_load %arg6[%get3A_191] {strides = array<i32>} : memref<2176xf32, #tpu.memory_space<vmem>>, vector<16xf32>,
        %add3A_193 = arith.addf %get3A_186, %get3A_192 : vector<16xf32>
        %mul3A_194 = arith.constant 128 : i32
        %mul3A_195 = arith.muli %add3A_45, %mul3A_194 : i32
        %add3A_196 = arith.constant 96 : i32
        %add3A_197 = arith.addi %mul3A_195, %add3A_196 : i32
        %swap3A_198 = arith.index_cast %add3A_197 : i32 to index
        %swap3A_199 = tpu.vector_load %arg7[%swap3A_198] {strides = array<i32>} : memref<8320xf32, #tpu.memory_space<vmem>>, vector<16xf32>,
        tpu.vector_store %arg7[%swap3A_198], %add3A_193 {strides = array<i32>} : memref<8320xf32, #tpu.memory_space<vmem>>, vector<16xf32>,
        %mul3A_200 = arith.constant 128 : i32
        %mul3A_201 = arith.muli %select_n3A, %mul3A_200 : i32
        %add3A_202 = arith.constant 112 : i32
        %add3A_203 = arith.addi %mul3A_201, %add3A_202 : i32
        %get3A_204 = arith.index_cast %add3A_203 : i32 to index
        %get3A_205 = tpu.vector_load %arg5[%get3A_204] {strides = array<i32>} : memref<15488xf32, #tpu.memory_space<vmem>>, vector<16xf32>,
        %mul3A_206 = arith.constant 128 : i32
        %mul3A_207 = arith.muli %sub3A_67, %mul3A_206 : i32
        %add3A_208 = arith.constant 112 : i32
        %add3A_209 = arith.addi %mul3A_207, %add3A_208 : i32
        %get3A_210 = arith.index_cast %add3A_209 : i32 to index
        %get3A_211 = tpu.vector_load %arg6[%get3A_210] {strides = array<i32>} : memref<2176xf32, #tpu.memory_space<vmem>>, vector<16xf32>,
        %add3A_212 = arith.addf %get3A_205, %get3A_211 : vector<16xf32>
        %mul3A_213 = arith.constant 128 : i32
        %mul3A_214 = arith.muli %add3A_45, %mul3A_213 : i32
        %add3A_215 = arith.constant 112 : i32
        %add3A_216 = arith.addi %mul3A_214, %add3A_215 : i32
        %swap3A_217 = arith.index_cast %add3A_216 : i32 to index
        %swap3A_218 = tpu.vector_load %arg7[%swap3A_217] {strides = array<i32>} : memref<8320xf32, #tpu.memory_space<vmem>>, vector<16xf32>,
        tpu.vector_store %arg7[%swap3A_217], %add3A_212 {strides = array<i32>} : memref<8320xf32, #tpu.memory_space<vmem>>, vector<16xf32>,
      } else {
      }
    }
    %scan3A_38 = arith.constant 65 : i32
    %mul3A_39 = arith.constant 128 : i32
    %mul3A_40 = arith.muli %mul3A_2, %mul3A_39 : i32
    "tpu.region"() ({
      %run_scoped3A = tpu.sem_alloc : memref<!tpu.dma_semaphore, #tpu.memory_space<semaphore_mem>>
      %dma_start3A = tpu.memref_slice %arg4[%mul3A_40] : memref<266240xf32, #tpu.memory_space<hbm>> -> memref<8320xf32, #tpu.memory_space<hbm>>
      %dma_start3A_41 = tpu.memref_slice %arg4[%mul3A_40] : memref<266240xf32, #tpu.memory_space<hbm>> -> memref<8320xf32, #tpu.memory_space<hbm>>
      tpu.enqueue_dma source(%arg7 : memref<8320xf32, #tpu.memory_space<vmem>>) target(%dma_start3A_41 : memref<8320xf32, #tpu.memory_space<hbm>>) target_semaphore(%run_scoped3A : memref<!tpu.dma_semaphore, #tpu.memory_space<semaphore_mem>>)
      %dma_wait3A = tpu.memref_slice %arg4[%mul3A_40] : memref<266240xf32, #tpu.memory_space<hbm>> -> memref<8320xf32, #tpu.memory_space<hbm>>
      %dma_wait3A_42 = tpu.memref_slice %arg4[%mul3A_40] : memref<266240xf32, #tpu.memory_space<hbm>> -> memref<8320xf32, #tpu.memory_space<hbm>>
      tpu.wait_dma2 semaphore(%run_scoped3A : memref<!tpu.dma_semaphore, #tpu.memory_space<semaphore_mem>>) src(%arg7 : memref<8320xf32, #tpu.memory_space<vmem>>) dst(%dma_wait3A_42 : memref<8320xf32, #tpu.memory_space<hbm>>)
      tpu.yield
    }) : () -> ()
    return
  }
}

#map = affine_map<(d0, d1) -> (0)>
#map1 = affine_map<(d0, d1) -> (0, 0)>
module attributes {stable_mosaic.version = 14 : i64} {
  func.func @_gather_body(%arg0: i32, %arg1: i32, %arg2: memref<819200xi32, #tpu.memory_space<hbm>>, %arg3: memref<819200xi32, #tpu.memory_space<hbm>>, %arg4: memref<2080x128xf32, #tpu.memory_space<hbm>>, %arg5: memref<819200x128xf32, #tpu.memory_space<hbm>>, %arg6: memref<25600xi32, #tpu.memory_space<vmem>>, %arg7: memref<25600xi32, #tpu.memory_space<vmem>>, %arg8: memref<128x128xf32, #tpu.memory_space<vmem>>, %arg9: memref<128x128xf32, #tpu.memory_space<vmem>>, %arg10: memref<128x128xf32, #tpu.memory_space<vmem>>, %arg11: memref<128x128xf32, #tpu.memory_space<vmem>>, %arg12: memref<!tpu.dma_semaphore, #tpu.memory_space<semaphore_mem>>, %arg13: memref<!tpu.dma_semaphore, #tpu.memory_space<semaphore_mem>>, %arg14: memref<!tpu.dma_semaphore, #tpu.memory_space<semaphore_mem>>, %arg15: memref<!tpu.dma_semaphore, #tpu.memory_space<semaphore_mem>>, %arg16: memref<!tpu.dma_semaphore, #tpu.memory_space<semaphore_mem>>, %arg17: memref<!tpu.dma_semaphore, #tpu.memory_space<semaphore_mem>>, %arg18: memref<!tpu.dma_semaphore, #tpu.memory_space<semaphore_mem>>, %arg19: memref<!tpu.dma_semaphore, #tpu.memory_space<semaphore_mem>>) attributes {dimension_semantics = [#tpu.dimension_semantics<core_parallel>, #tpu.dimension_semantics<subcore_parallel>], iteration_bounds = array<i64: 2, 16>, scalar_prefetch = 0 : i64, scratch_operands = 14 : i64, tpu.core_type = #tpu.core_type<sc_vector_subcore>, window_params = [{transform_indices = #map}, {transform_indices = #map}, {transform_indices = #map1}, {transform_indices = #map1}]} {
    %mul3A = arith.constant 2 : i32
    %mul3A_0 = arith.muli %arg1, %mul3A : i32
    %add3A = arith.addi %mul3A_0, %arg0 : i32
    %mul3A_1 = arith.constant 25600 : i32
    %mul3A_2 = arith.muli %add3A, %mul3A_1 : i32
    "tpu.region"() ({
      %run_scoped3A = tpu.sem_alloc : memref<!tpu.dma_semaphore, #tpu.memory_space<semaphore_mem>>
      %dma_start3A_32 = tpu.memref_slice %arg2[%mul3A_2] : memref<819200xi32, #tpu.memory_space<hbm>> -> memref<25600xi32, #tpu.memory_space<hbm>>
      %dma_start3A_33 = tpu.memref_slice %arg2[%mul3A_2] : memref<819200xi32, #tpu.memory_space<hbm>> -> memref<25600xi32, #tpu.memory_space<hbm>>
      tpu.enqueue_dma source(%dma_start3A_33 : memref<25600xi32, #tpu.memory_space<hbm>>) target(%arg6 : memref<25600xi32, #tpu.memory_space<vmem>>) target_semaphore(%run_scoped3A : memref<!tpu.dma_semaphore, #tpu.memory_space<semaphore_mem>>)
      %dma_wait3A_34 = tpu.memref_slice %arg2[%mul3A_2] : memref<819200xi32, #tpu.memory_space<hbm>> -> memref<25600xi32, #tpu.memory_space<hbm>>
      %dma_wait3A_35 = tpu.memref_slice %arg2[%mul3A_2] : memref<819200xi32, #tpu.memory_space<hbm>> -> memref<25600xi32, #tpu.memory_space<hbm>>
      tpu.wait_dma2 semaphore(%run_scoped3A : memref<!tpu.dma_semaphore, #tpu.memory_space<semaphore_mem>>) src(%dma_wait3A_35 : memref<25600xi32, #tpu.memory_space<hbm>>) dst(%arg6 : memref<25600xi32, #tpu.memory_space<vmem>>)
      tpu.yield
    }) : () -> ()
    "tpu.region"() ({
      %run_scoped3A = tpu.sem_alloc : memref<!tpu.dma_semaphore, #tpu.memory_space<semaphore_mem>>
      %dma_start3A_32 = tpu.memref_slice %arg3[%mul3A_2] : memref<819200xi32, #tpu.memory_space<hbm>> -> memref<25600xi32, #tpu.memory_space<hbm>>
      %dma_start3A_33 = tpu.memref_slice %arg3[%mul3A_2] : memref<819200xi32, #tpu.memory_space<hbm>> -> memref<25600xi32, #tpu.memory_space<hbm>>
      tpu.enqueue_dma source(%dma_start3A_33 : memref<25600xi32, #tpu.memory_space<hbm>>) target(%arg7 : memref<25600xi32, #tpu.memory_space<vmem>>) target_semaphore(%run_scoped3A : memref<!tpu.dma_semaphore, #tpu.memory_space<semaphore_mem>>)
      %dma_wait3A_34 = tpu.memref_slice %arg3[%mul3A_2] : memref<819200xi32, #tpu.memory_space<hbm>> -> memref<25600xi32, #tpu.memory_space<hbm>>
      %dma_wait3A_35 = tpu.memref_slice %arg3[%mul3A_2] : memref<819200xi32, #tpu.memory_space<hbm>> -> memref<25600xi32, #tpu.memory_space<hbm>>
      tpu.wait_dma2 semaphore(%run_scoped3A : memref<!tpu.dma_semaphore, #tpu.memory_space<semaphore_mem>>) src(%dma_wait3A_35 : memref<25600xi32, #tpu.memory_space<hbm>>) dst(%arg7 : memref<25600xi32, #tpu.memory_space<vmem>>)
      tpu.yield
    }) : () -> ()
    %scan3A = arith.constant 0 : i32
    %scan3A_3 = arith.constant 1600 : i32
    %scan3A_4 = arith.addi %scan3A, %scan3A_3 : i32
    %scan3A_5 = arith.constant 1 : i32
    scf.for %scan3A_32 = %scan3A to %scan3A_4 step %scan3A_5  : i32 {
      %mul3A_33 = arith.constant 1 : i32
      %mul3A_34 = arith.muli %scan3A_32, %mul3A_33 : i32
      %add3A_35 = arith.constant 0 : i32
      %add3A_36 = arith.addi %add3A_35, %mul3A_34 : i32
      %mul3A_37 = arith.constant 16 : i32
      %mul3A_38 = arith.muli %add3A_36, %mul3A_37 : i32
      %get3A = arith.index_cast %mul3A_38 : i32 to index
      %get3A_39 = tpu.vector_load %arg6[%get3A] {strides = array<i32>} : memref<25600xi32, #tpu.memory_space<vmem>>, vector<16xi32>,
      %mul3A_40 = arith.constant 17 : i32
      %mul3A_41 = vector.broadcast %mul3A_40 : i32 to vector<16xi32>
      %mul3A_42 = arith.muli %get3A_39, %mul3A_41 : vector<16xi32>
      %get3A_43 = arith.index_cast %mul3A_38 : i32 to index
      %get3A_44 = tpu.vector_load %arg7[%get3A_43] {strides = array<i32>} : memref<25600xi32, #tpu.memory_space<vmem>>, vector<16xi32>,
      %add3A_45 = arith.addi %mul3A_42, %get3A_44 : vector<16xi32>
      %swap3A = arith.index_cast %mul3A_38 : i32 to index
      %swap3A_46 = tpu.vector_load %arg6[%swap3A] {strides = array<i32>} : memref<25600xi32, #tpu.memory_space<vmem>>, vector<16xi32>,
      tpu.vector_store %arg6[%swap3A], %add3A_45 {strides = array<i32>} : memref<25600xi32, #tpu.memory_space<vmem>>, vector<16xi32>,
    }
    %scan3A_6 = arith.constant 1600 : i32
    %dma_start3A = arith.constant 0 : i32
    %dma_start3A_7 = tpu.memref_slice %arg6[%dma_start3A] : memref<25600xi32, #tpu.memory_space<vmem>> -> memref<128xi32, #tpu.memory_space<vmem>>
    %dma_start3A_8 = arith.constant 0 : i32
    %dma_start3A_9 = arith.constant 0 : i32
    %dma_start3A_10 = tpu.memref_slice %arg4[%dma_start3A_8, %dma_start3A_9] : memref<2080x128xf32, #tpu.memory_space<hbm>> -> memref<2080x128xf32, #tpu.memory_space<hbm>>
    tpu.enqueue_indirect_dma source(%dma_start3A_10 : memref<2080x128xf32, #tpu.memory_space<hbm>>) target(%arg8 : memref<128x128xf32, #tpu.memory_space<vmem>>) offsets(%dma_start3A_7 : memref<128xi32, #tpu.memory_space<vmem>>) semaphore(%arg12 : memref<!tpu.dma_semaphore, #tpu.memory_space<semaphore_mem>>)
    %dma_start3A_11 = arith.constant 128 : i32
    %dma_start3A_12 = tpu.memref_slice %arg6[%dma_start3A_11] : memref<25600xi32, #tpu.memory_space<vmem>> -> memref<128xi32, #tpu.memory_space<vmem>>
    %dma_start3A_13 = arith.constant 0 : i32
    %dma_start3A_14 = arith.constant 0 : i32
    %dma_start3A_15 = tpu.memref_slice %arg4[%dma_start3A_13, %dma_start3A_14] : memref<2080x128xf32, #tpu.memory_space<hbm>> -> memref<2080x128xf32, #tpu.memory_space<hbm>>
    tpu.enqueue_indirect_dma source(%dma_start3A_15 : memref<2080x128xf32, #tpu.memory_space<hbm>>) target(%arg9 : memref<128x128xf32, #tpu.memory_space<vmem>>) offsets(%dma_start3A_12 : memref<128xi32, #tpu.memory_space<vmem>>) semaphore(%arg13 : memref<!tpu.dma_semaphore, #tpu.memory_space<semaphore_mem>>)
    %scan3A_16 = arith.constant 0 : i32
    %scan3A_17 = arith.constant 50 : i32
    %scan3A_18 = arith.addi %scan3A_16, %scan3A_17 : i32
    %scan3A_19 = arith.constant 1 : i32
    scf.for %scan3A_32 = %scan3A_16 to %scan3A_18 step %scan3A_19  : i32 {
      %mul3A_33 = arith.constant 1 : i32
      %mul3A_34 = arith.muli %scan3A_32, %mul3A_33 : i32
      %add3A_35 = arith.constant 0 : i32
      %add3A_36 = arith.addi %add3A_35, %mul3A_34 : i32
      %mul3A_37 = arith.constant 4 : i32
      %mul3A_38 = arith.muli %add3A_36, %mul3A_37 : i32
      %add3A_39 = arith.constant 0 : i32
      %add3A_40 = arith.addi %mul3A_38, %add3A_39 : i32
      %add3A_41 = arith.constant 2 : i32
      %add3A_42 = arith.addi %add3A_40, %add3A_41 : i32
      %ge3A = arith.constant 4 : i32
      %ge3A_43 = arith.cmpi sge, %add3A_42, %ge3A : i32
      %convert_element_type3A = arith.extui %ge3A_43 : i1 to i32
      %cond3A = arith.constant 0 : i32
      %cond3A_44 = arith.cmpi ne, %convert_element_type3A, %cond3A : i32
      scf.if %cond3A_44 {
        %dma_wait3A_149 = arith.constant 0 : i32
        %dma_wait3A_150 = arith.constant 0 : i32
        %dma_wait3A_151 = tpu.memref_slice %arg5[%dma_wait3A_149, %dma_wait3A_150] : memref<819200x128xf32, #tpu.memory_space<hbm>> -> memref<128x128xf32, #tpu.memory_space<hbm>>
        %dma_wait3A_152 = arith.constant 0 : i32
        %dma_wait3A_153 = arith.constant 0 : i32
        %dma_wait3A_154 = tpu.memref_slice %arg5[%dma_wait3A_152, %dma_wait3A_153] : memref<819200x128xf32, #tpu.memory_space<hbm>> -> memref<128x128xf32, #tpu.memory_space<hbm>>
        tpu.wait_dma2 semaphore(%arg18 : memref<!tpu.dma_semaphore, #tpu.memory_space<semaphore_mem>>) src(%arg10 : memref<128x128xf32, #tpu.memory_space<vmem>>) dst(%dma_wait3A_154 : memref<128x128xf32, #tpu.memory_space<hbm>>)
      } else {
      }
      %lt3A = arith.constant 200 : i32
      %lt3A_45 = arith.cmpi slt, %add3A_42, %lt3A : i32
      %convert_element_type3A_46 = arith.extui %lt3A_45 : i1 to i32
      %cond3A_47 = arith.constant 0 : i32
      %cond3A_48 = arith.cmpi ne, %convert_element_type3A_46, %cond3A_47 : i32
      scf.if %cond3A_48 {
        %mul3A_149 = arith.constant 128 : i32
        %mul3A_150 = arith.muli %add3A_42, %mul3A_149 : i32
        %dma_start3A_151 = tpu.memref_slice %arg6[%mul3A_150] : memref<25600xi32, #tpu.memory_space<vmem>> -> memref<128xi32, #tpu.memory_space<vmem>>
        %dma_start3A_152 = arith.constant 0 : i32
        %dma_start3A_153 = arith.constant 0 : i32
        %dma_start3A_154 = tpu.memref_slice %arg4[%dma_start3A_152, %dma_start3A_153] : memref<2080x128xf32, #tpu.memory_space<hbm>> -> memref<2080x128xf32, #tpu.memory_space<hbm>>
        tpu.enqueue_indirect_dma source(%dma_start3A_154 : memref<2080x128xf32, #tpu.memory_space<hbm>>) target(%arg10 : memref<128x128xf32, #tpu.memory_space<vmem>>) offsets(%dma_start3A_151 : memref<128xi32, #tpu.memory_space<vmem>>) semaphore(%arg14 : memref<!tpu.dma_semaphore, #tpu.memory_space<semaphore_mem>>)
      } else {
      }
      %dma_wait3A_49 = arith.constant 0 : i32
      %dma_wait3A_50 = arith.constant 0 : i32
      %dma_wait3A_51 = tpu.memref_slice %arg4[%dma_wait3A_49, %dma_wait3A_50] : memref<2080x128xf32, #tpu.memory_space<hbm>> -> memref<128x128xf32, #tpu.memory_space<hbm>>
      %dma_wait3A_52 = arith.constant 0 : i32
      %dma_wait3A_53 = arith.constant 0 : i32
      %dma_wait3A_54 = tpu.memref_slice %arg4[%dma_wait3A_52, %dma_wait3A_53] : memref<2080x128xf32, #tpu.memory_space<hbm>> -> memref<128x128xf32, #tpu.memory_space<hbm>>
      tpu.wait_dma2 semaphore(%arg12 : memref<!tpu.dma_semaphore, #tpu.memory_space<semaphore_mem>>) src(%dma_wait3A_54 : memref<128x128xf32, #tpu.memory_space<hbm>>) dst(%arg8 : memref<128x128xf32, #tpu.memory_space<vmem>>)
      %mul3A_55 = arith.constant 128 : i32
      %mul3A_56 = arith.muli %add3A_40, %mul3A_55 : i32
      %add3A_57 = arith.addi %mul3A_2, %mul3A_56 : i32
      %dma_start3A_58 = arith.constant 0 : i32
      %dma_start3A_59 = tpu.memref_slice %arg5[%add3A_57, %dma_start3A_58] : memref<819200x128xf32, #tpu.memory_space<hbm>> -> memref<128x128xf32, #tpu.memory_space<hbm>>
      %dma_start3A_60 = arith.constant 0 : i32
      %dma_start3A_61 = tpu.memref_slice %arg5[%add3A_57, %dma_start3A_60] : memref<819200x128xf32, #tpu.memory_space<hbm>> -> memref<128x128xf32, #tpu.memory_space<hbm>>
      tpu.enqueue_dma source(%arg8 : memref<128x128xf32, #tpu.memory_space<vmem>>) target(%dma_start3A_61 : memref<128x128xf32, #tpu.memory_space<hbm>>) target_semaphore(%arg16 : memref<!tpu.dma_semaphore, #tpu.memory_space<semaphore_mem>>)
      %mul3A_62 = arith.constant 4 : i32
      %mul3A_63 = arith.muli %add3A_36, %mul3A_62 : i32
      %add3A_64 = arith.constant 1 : i32
      %add3A_65 = arith.addi %mul3A_63, %add3A_64 : i32
      %add3A_66 = arith.constant 2 : i32
      %add3A_67 = arith.addi %add3A_65, %add3A_66 : i32
      %ge3A_68 = arith.constant 4 : i32
      %ge3A_69 = arith.cmpi sge, %add3A_67, %ge3A_68 : i32
      %convert_element_type3A_70 = arith.extui %ge3A_69 : i1 to i32
      %cond3A_71 = arith.constant 0 : i32
      %cond3A_72 = arith.cmpi ne, %convert_element_type3A_70, %cond3A_71 : i32
      scf.if %cond3A_72 {
        %dma_wait3A_149 = arith.constant 0 : i32
        %dma_wait3A_150 = arith.constant 0 : i32
        %dma_wait3A_151 = tpu.memref_slice %arg5[%dma_wait3A_149, %dma_wait3A_150] : memref<819200x128xf32, #tpu.memory_space<hbm>> -> memref<128x128xf32, #tpu.memory_space<hbm>>
        %dma_wait3A_152 = arith.constant 0 : i32
        %dma_wait3A_153 = arith.constant 0 : i32
        %dma_wait3A_154 = tpu.memref_slice %arg5[%dma_wait3A_152, %dma_wait3A_153] : memref<819200x128xf32, #tpu.memory_space<hbm>> -> memref<128x128xf32, #tpu.memory_space<hbm>>
        tpu.wait_dma2 semaphore(%arg19 : memref<!tpu.dma_semaphore, #tpu.memory_space<semaphore_mem>>) src(%arg11 : memref<128x128xf32, #tpu.memory_space<vmem>>) dst(%dma_wait3A_154 : memref<128x128xf32, #tpu.memory_space<hbm>>)
      } else {
      }
      %lt3A_73 = arith.constant 200 : i32
      %lt3A_74 = arith.cmpi slt, %add3A_67, %lt3A_73 : i32
      %convert_element_type3A_75 = arith.extui %lt3A_74 : i1 to i32
      %cond3A_76 = arith.constant 0 : i32
      %cond3A_77 = arith.cmpi ne, %convert_element_type3A_75, %cond3A_76 : i32
      scf.if %cond3A_77 {
        %mul3A_149 = arith.constant 128 : i32
        %mul3A_150 = arith.muli %add3A_67, %mul3A_149 : i32
        %dma_start3A_151 = tpu.memref_slice %arg6[%mul3A_150] : memref<25600xi32, #tpu.memory_space<vmem>> -> memref<128xi32, #tpu.memory_space<vmem>>
        %dma_start3A_152 = arith.constant 0 : i32
        %dma_start3A_153 = arith.constant 0 : i32
        %dma_start3A_154 = tpu.memref_slice %arg4[%dma_start3A_152, %dma_start3A_153] : memref<2080x128xf32, #tpu.memory_space<hbm>> -> memref<2080x128xf32, #tpu.memory_space<hbm>>
        tpu.enqueue_indirect_dma source(%dma_start3A_154 : memref<2080x128xf32, #tpu.memory_space<hbm>>) target(%arg11 : memref<128x128xf32, #tpu.memory_space<vmem>>) offsets(%dma_start3A_151 : memref<128xi32, #tpu.memory_space<vmem>>) semaphore(%arg15 : memref<!tpu.dma_semaphore, #tpu.memory_space<semaphore_mem>>)
      } else {
      }
      %dma_wait3A_78 = arith.constant 0 : i32
      %dma_wait3A_79 = arith.constant 0 : i32
      %dma_wait3A_80 = tpu.memref_slice %arg4[%dma_wait3A_78, %dma_wait3A_79] : memref<2080x128xf32, #tpu.memory_space<hbm>> -> memref<128x128xf32, #tpu.memory_space<hbm>>
      %dma_wait3A_81 = arith.constant 0 : i32
      %dma_wait3A_82 = arith.constant 0 : i32
      %dma_wait3A_83 = tpu.memref_slice %arg4[%dma_wait3A_81, %dma_wait3A_82] : memref<2080x128xf32, #tpu.memory_space<hbm>> -> memref<128x128xf32, #tpu.memory_space<hbm>>
      tpu.wait_dma2 semaphore(%arg13 : memref<!tpu.dma_semaphore, #tpu.memory_space<semaphore_mem>>) src(%dma_wait3A_83 : memref<128x128xf32, #tpu.memory_space<hbm>>) dst(%arg9 : memref<128x128xf32, #tpu.memory_space<vmem>>)
      %mul3A_84 = arith.constant 128 : i32
      %mul3A_85 = arith.muli %add3A_65, %mul3A_84 : i32
      %add3A_86 = arith.addi %mul3A_2, %mul3A_85 : i32
      %dma_start3A_87 = arith.constant 0 : i32
      %dma_start3A_88 = tpu.memref_slice %arg5[%add3A_86, %dma_start3A_87] : memref<819200x128xf32, #tpu.memory_space<hbm>> -> memref<128x128xf32, #tpu.memory_space<hbm>>
      %dma_start3A_89 = arith.constant 0 : i32
      %dma_start3A_90 = tpu.memref_slice %arg5[%add3A_86, %dma_start3A_89] : memref<819200x128xf32, #tpu.memory_space<hbm>> -> memref<128x128xf32, #tpu.memory_space<hbm>>
      tpu.enqueue_dma source(%arg9 : memref<128x128xf32, #tpu.memory_space<vmem>>) target(%dma_start3A_90 : memref<128x128xf32, #tpu.memory_space<hbm>>) target_semaphore(%arg17 : memref<!tpu.dma_semaphore, #tpu.memory_space<semaphore_mem>>)
      %mul3A_91 = arith.constant 4 : i32
      %mul3A_92 = arith.muli %add3A_36, %mul3A_91 : i32
      %add3A_93 = arith.constant 2 : i32
      %add3A_94 = arith.addi %mul3A_92, %add3A_93 : i32
      %add3A_95 = arith.constant 2 : i32
      %add3A_96 = arith.addi %add3A_94, %add3A_95 : i32
      %ge3A_97 = arith.constant 4 : i32
      %ge3A_98 = arith.cmpi sge, %add3A_96, %ge3A_97 : i32
      %convert_element_type3A_99 = arith.extui %ge3A_98 : i1 to i32
      %cond3A_100 = arith.constant 0 : i32
      %cond3A_101 = arith.cmpi ne, %convert_element_type3A_99, %cond3A_100 : i32
      scf.if %cond3A_101 {
        %dma_wait3A_149 = arith.constant 0 : i32
        %dma_wait3A_150 = arith.constant 0 : i32
        %dma_wait3A_151 = tpu.memref_slice %arg5[%dma_wait3A_149, %dma_wait3A_150] : memref<819200x128xf32, #tpu.memory_space<hbm>> -> memref<128x128xf32, #tpu.memory_space<hbm>>
        %dma_wait3A_152 = arith.constant 0 : i32
        %dma_wait3A_153 = arith.constant 0 : i32
        %dma_wait3A_154 = tpu.memref_slice %arg5[%dma_wait3A_152, %dma_wait3A_153] : memref<819200x128xf32, #tpu.memory_space<hbm>> -> memref<128x128xf32, #tpu.memory_space<hbm>>
        tpu.wait_dma2 semaphore(%arg16 : memref<!tpu.dma_semaphore, #tpu.memory_space<semaphore_mem>>) src(%arg8 : memref<128x128xf32, #tpu.memory_space<vmem>>) dst(%dma_wait3A_154 : memref<128x128xf32, #tpu.memory_space<hbm>>)
      } else {
      }
      %lt3A_102 = arith.constant 200 : i32
      %lt3A_103 = arith.cmpi slt, %add3A_96, %lt3A_102 : i32
      %convert_element_type3A_104 = arith.extui %lt3A_103 : i1 to i32
      %cond3A_105 = arith.constant 0 : i32
      %cond3A_106 = arith.cmpi ne, %convert_element_type3A_104, %cond3A_105 : i32
      scf.if %cond3A_106 {
        %mul3A_149 = arith.constant 128 : i32
        %mul3A_150 = arith.muli %add3A_96, %mul3A_149 : i32
        %dma_start3A_151 = tpu.memref_slice %arg6[%mul3A_150] : memref<25600xi32, #tpu.memory_space<vmem>> -> memref<128xi32, #tpu.memory_space<vmem>>
        %dma_start3A_152 = arith.constant 0 : i32
        %dma_start3A_153 = arith.constant 0 : i32
        %dma_start3A_154 = tpu.memref_slice %arg4[%dma_start3A_152, %dma_start3A_153] : memref<2080x128xf32, #tpu.memory_space<hbm>> -> memref<2080x128xf32, #tpu.memory_space<hbm>>
        tpu.enqueue_indirect_dma source(%dma_start3A_154 : memref<2080x128xf32, #tpu.memory_space<hbm>>) target(%arg8 : memref<128x128xf32, #tpu.memory_space<vmem>>) offsets(%dma_start3A_151 : memref<128xi32, #tpu.memory_space<vmem>>) semaphore(%arg12 : memref<!tpu.dma_semaphore, #tpu.memory_space<semaphore_mem>>)
      } else {
      }
      %dma_wait3A_107 = arith.constant 0 : i32
      %dma_wait3A_108 = arith.constant 0 : i32
      %dma_wait3A_109 = tpu.memref_slice %arg4[%dma_wait3A_107, %dma_wait3A_108] : memref<2080x128xf32, #tpu.memory_space<hbm>> -> memref<128x128xf32, #tpu.memory_space<hbm>>
      %dma_wait3A_110 = arith.constant 0 : i32
      %dma_wait3A_111 = arith.constant 0 : i32
      %dma_wait3A_112 = tpu.memref_slice %arg4[%dma_wait3A_110, %dma_wait3A_111] : memref<2080x128xf32, #tpu.memory_space<hbm>> -> memref<128x128xf32, #tpu.memory_space<hbm>>
      tpu.wait_dma2 semaphore(%arg14 : memref<!tpu.dma_semaphore, #tpu.memory_space<semaphore_mem>>) src(%dma_wait3A_112 : memref<128x128xf32, #tpu.memory_space<hbm>>) dst(%arg10 : memref<128x128xf32, #tpu.memory_space<vmem>>)
      %mul3A_113 = arith.constant 128 : i32
      %mul3A_114 = arith.muli %add3A_94, %mul3A_113 : i32
      %add3A_115 = arith.addi %mul3A_2, %mul3A_114 : i32
      %dma_start3A_116 = arith.constant 0 : i32
      %dma_start3A_117 = tpu.memref_slice %arg5[%add3A_115, %dma_start3A_116] : memref<819200x128xf32, #tpu.memory_space<hbm>> -> memref<128x128xf32, #tpu.memory_space<hbm>>
      %dma_start3A_118 = arith.constant 0 : i32
      %dma_start3A_119 = tpu.memref_slice %arg5[%add3A_115, %dma_start3A_118] : memref<819200x128xf32, #tpu.memory_space<hbm>> -> memref<128x128xf32, #tpu.memory_space<hbm>>
      tpu.enqueue_dma source(%arg10 : memref<128x128xf32, #tpu.memory_space<vmem>>) target(%dma_start3A_119 : memref<128x128xf32, #tpu.memory_space<hbm>>) target_semaphore(%arg18 : memref<!tpu.dma_semaphore, #tpu.memory_space<semaphore_mem>>)
      %mul3A_120 = arith.constant 4 : i32
      %mul3A_121 = arith.muli %add3A_36, %mul3A_120 : i32
      %add3A_122 = arith.constant 3 : i32
      %add3A_123 = arith.addi %mul3A_121, %add3A_122 : i32
      %add3A_124 = arith.constant 2 : i32
      %add3A_125 = arith.addi %add3A_123, %add3A_124 : i32
      %ge3A_126 = arith.constant 4 : i32
      %ge3A_127 = arith.cmpi sge, %add3A_125, %ge3A_126 : i32
      %convert_element_type3A_128 = arith.extui %ge3A_127 : i1 to i32
      %cond3A_129 = arith.constant 0 : i32
      %cond3A_130 = arith.cmpi ne, %convert_element_type3A_128, %cond3A_129 : i32
      scf.if %cond3A_130 {
        %dma_wait3A_149 = arith.constant 0 : i32
        %dma_wait3A_150 = arith.constant 0 : i32
        %dma_wait3A_151 = tpu.memref_slice %arg5[%dma_wait3A_149, %dma_wait3A_150] : memref<819200x128xf32, #tpu.memory_space<hbm>> -> memref<128x128xf32, #tpu.memory_space<hbm>>
        %dma_wait3A_152 = arith.constant 0 : i32
        %dma_wait3A_153 = arith.constant 0 : i32
        %dma_wait3A_154 = tpu.memref_slice %arg5[%dma_wait3A_152, %dma_wait3A_153] : memref<819200x128xf32, #tpu.memory_space<hbm>> -> memref<128x128xf32, #tpu.memory_space<hbm>>
        tpu.wait_dma2 semaphore(%arg17 : memref<!tpu.dma_semaphore, #tpu.memory_space<semaphore_mem>>) src(%arg9 : memref<128x128xf32, #tpu.memory_space<vmem>>) dst(%dma_wait3A_154 : memref<128x128xf32, #tpu.memory_space<hbm>>)
      } else {
      }
      %lt3A_131 = arith.constant 200 : i32
      %lt3A_132 = arith.cmpi slt, %add3A_125, %lt3A_131 : i32
      %convert_element_type3A_133 = arith.extui %lt3A_132 : i1 to i32
      %cond3A_134 = arith.constant 0 : i32
      %cond3A_135 = arith.cmpi ne, %convert_element_type3A_133, %cond3A_134 : i32
      scf.if %cond3A_135 {
        %mul3A_149 = arith.constant 128 : i32
        %mul3A_150 = arith.muli %add3A_125, %mul3A_149 : i32
        %dma_start3A_151 = tpu.memref_slice %arg6[%mul3A_150] : memref<25600xi32, #tpu.memory_space<vmem>> -> memref<128xi32, #tpu.memory_space<vmem>>
        %dma_start3A_152 = arith.constant 0 : i32
        %dma_start3A_153 = arith.constant 0 : i32
        %dma_start3A_154 = tpu.memref_slice %arg4[%dma_start3A_152, %dma_start3A_153] : memref<2080x128xf32, #tpu.memory_space<hbm>> -> memref<2080x128xf32, #tpu.memory_space<hbm>>
        tpu.enqueue_indirect_dma source(%dma_start3A_154 : memref<2080x128xf32, #tpu.memory_space<hbm>>) target(%arg9 : memref<128x128xf32, #tpu.memory_space<vmem>>) offsets(%dma_start3A_151 : memref<128xi32, #tpu.memory_space<vmem>>) semaphore(%arg13 : memref<!tpu.dma_semaphore, #tpu.memory_space<semaphore_mem>>)
      } else {
      }
      %dma_wait3A_136 = arith.constant 0 : i32
      %dma_wait3A_137 = arith.constant 0 : i32
      %dma_wait3A_138 = tpu.memref_slice %arg4[%dma_wait3A_136, %dma_wait3A_137] : memref<2080x128xf32, #tpu.memory_space<hbm>> -> memref<128x128xf32, #tpu.memory_space<hbm>>
      %dma_wait3A_139 = arith.constant 0 : i32
      %dma_wait3A_140 = arith.constant 0 : i32
      %dma_wait3A_141 = tpu.memref_slice %arg4[%dma_wait3A_139, %dma_wait3A_140] : memref<2080x128xf32, #tpu.memory_space<hbm>> -> memref<128x128xf32, #tpu.memory_space<hbm>>
      tpu.wait_dma2 semaphore(%arg15 : memref<!tpu.dma_semaphore, #tpu.memory_space<semaphore_mem>>) src(%dma_wait3A_141 : memref<128x128xf32, #tpu.memory_space<hbm>>) dst(%arg11 : memref<128x128xf32, #tpu.memory_space<vmem>>)
      %mul3A_142 = arith.constant 128 : i32
      %mul3A_143 = arith.muli %add3A_123, %mul3A_142 : i32
      %add3A_144 = arith.addi %mul3A_2, %mul3A_143 : i32
      %dma_start3A_145 = arith.constant 0 : i32
      %dma_start3A_146 = tpu.memref_slice %arg5[%add3A_144, %dma_start3A_145] : memref<819200x128xf32, #tpu.memory_space<hbm>> -> memref<128x128xf32, #tpu.memory_space<hbm>>
      %dma_start3A_147 = arith.constant 0 : i32
      %dma_start3A_148 = tpu.memref_slice %arg5[%add3A_144, %dma_start3A_147] : memref<819200x128xf32, #tpu.memory_space<hbm>> -> memref<128x128xf32, #tpu.memory_space<hbm>>
      tpu.enqueue_dma source(%arg11 : memref<128x128xf32, #tpu.memory_space<vmem>>) target(%dma_start3A_148 : memref<128x128xf32, #tpu.memory_space<hbm>>) target_semaphore(%arg19 : memref<!tpu.dma_semaphore, #tpu.memory_space<semaphore_mem>>)
    }
    %scan3A_20 = arith.constant 50 : i32
    %dma_wait3A = arith.constant 0 : i32
    %dma_wait3A_21 = arith.constant 0 : i32
    %dma_wait3A_22 = tpu.memref_slice %arg5[%dma_wait3A, %dma_wait3A_21] : memref<819200x128xf32, #tpu.memory_space<hbm>> -> memref<128x128xf32, #tpu.memory_space<hbm>>
    %dma_wait3A_23 = arith.constant 0 : i32
    %dma_wait3A_24 = arith.constant 0 : i32
    %dma_wait3A_25 = tpu.memref_slice %arg5[%dma_wait3A_23, %dma_wait3A_24] : memref<819200x128xf32, #tpu.memory_space<hbm>> -> memref<128x128xf32, #tpu.memory_space<hbm>>
    tpu.wait_dma2 semaphore(%arg18 : memref<!tpu.dma_semaphore, #tpu.memory_space<semaphore_mem>>) src(%arg10 : memref<128x128xf32, #tpu.memory_space<vmem>>) dst(%dma_wait3A_25 : memref<128x128xf32, #tpu.memory_space<hbm>>)
    %dma_wait3A_26 = arith.constant 0 : i32
    %dma_wait3A_27 = arith.constant 0 : i32
    %dma_wait3A_28 = tpu.memref_slice %arg5[%dma_wait3A_26, %dma_wait3A_27] : memref<819200x128xf32, #tpu.memory_space<hbm>> -> memref<128x128xf32, #tpu.memory_space<hbm>>
    %dma_wait3A_29 = arith.constant 0 : i32
    %dma_wait3A_30 = arith.constant 0 : i32
    %dma_wait3A_31 = tpu.memref_slice %arg5[%dma_wait3A_29, %dma_wait3A_30] : memref<819200x128xf32, #tpu.memory_space<hbm>> -> memref<128x128xf32, #tpu.memory_space<hbm>>
    tpu.wait_dma2 semaphore(%arg19 : memref<!tpu.dma_semaphore, #tpu.memory_space<semaphore_mem>>) src(%arg11 : memref<128x128xf32, #tpu.memory_space<vmem>>) dst(%dma_wait3A_31 : memref<128x128xf32, #tpu.memory_space<hbm>>)
    return
  }
}

</mosaic_0001>

<sc_bundles>
// kernel: _run.4.cloned.1.call-start
scs
__scs_entry_jumppad:
0x0: {  	(pc) =	sbr.rel $0x88, $3  }
0x1: {  	(tag) =	ssettag $0x0;
	lr =	simm.s32 $0x1  }
0x2: {  	[smem:$0x3F9D] =	sst lr;
	_ =	strace $0xD0000000  }
0x3: {  	_ = 	snop  }
0x4: {  	_ = 	snop  }
0x5: {  	_ = 	snop  }
0x6: {  	_ = 	snop  }
0x7: {  	_ = 	snop  }
__scs_overlays_trampoline_lowered:
0x8: {  	[smem:$0x3FAC] =	sst s0  }
0x9: {  	[smem:$0x3FAD] =	sst s1  }
0xa: {  	[smem:$0x3FAE] =	sst s2  }
0xb: {  	[smem:$0x3FAF] =	sst s3  }
0xc: {  	[smem:$0x3FB0] =	sst s4  }
0xd: {  	[smem:$0x3FB1] =	sst s5  }
0xe: {  	[smem:$0x3FB2] =	sst s6  }
0xf: {  	[smem:$0x3FB3] =	sst s7  }
0x10: {  	[smem:$0x3FB4] =	sst s8  }
0x11: {  	[smem:$0x3FB5] =	sst s9;
	s0 =	simm.s32 @!p0 $0x0  }
0x12: {  	s1 =	sld [smem:$0x3F9B];
	s0 =	simm.s32 @p0 $0x1  }
0x13: {  	[smem:$0x3FB6] =	sst s0;
	s0 =	simm.s32 @!p1 $0x0  }
0x14: {  	s2 =	sld [smem:$0x3F9A];
	s0 =	simm.s32 @p1 $0x1  }
0x15: {  	[smem:$0x3FB7] =	sst s0;
	s0 =	simm.s32 @!p2 $0x0  }
0x16: {  	s3 =	sld [smem:$0x3FDB];
	s0 =	simm.s32 @p2 $0x1  }
0x17: {  	s4 =	simm.s32 $0x1BF5;
	[smem:$0x3FB9] =	sst s0  }
0x18: {  	s0 =	sld [smem:$0x3F9C];
	_ =	swait.ge [sflag:s4], $0x0  }
0x19: {  	s7 =	sld [smem:$0x3F9D]  }
0x1a: {  	s8 =	sadd.s32 $0xFFFFE003, lr  }
0x1b: {  	s9 =	sadd.s32 $0xFFFFFEF7, lr;
	s5 =	simm.s32 $0xFFFFFFFF;
	p2 =	slt.u32 s8, $0xFFFFF086  }
0x1c: {  	p1 =	slt.u32 s9, $0xF7A;
	s5 =	simm.s32 @!p2 $0x0  }
0x1d: {  	s5 =	simm.s32 @p1 $0x1;
	p0 =	seq.s32 s7, s2  }
0x1e: {  	s7 =	smul.u32 @!p0 $0xF7A, s2;
	p2 =	seq.s32 @!p0 s5, $0x0  }
0x1f: {  	s9 =	smul.u32 $0xF7A, s1;
	s8 =	simm.s32 @!p0 $0x1BF5;
	p2 =	por !p2, p0  }
0x20: {  	[sflag:s8] =	ssyncset.s32 @!p0 $0xFFFFF086;
	s6 =	sadd.s32 @!p0 s3, s7;
	s7 =	simm.s32 @!p0 $0x108  }
0x21: {  	s3 =	sadd.s32 s3, s9;
	s6 =	sadd.s32 @!p0 $0x88, s6;
	s7 =	simm.s32 @p2 $0x1082  }
0x22: {  	[simem:s7], [sflag:s8] =	dma.local @!p0 [hbm:s6], $0xF7A  }
0x23: {  	s9 =	sor.u32 $0xD0000000, s2;
	s6 =	simm.s32 $0x108;
	_ =	swait.ge @!p0 [sflag:s8], $0x0  }
0x24: {  	s3 =	sadd.s32 $0x88, s3;
	s6 =	simm.s32 @!p1 $0x1082;
	[sflag:s4] =	ssyncset.s32 $0xFFFFF086  }
0x25: {  	[simem:s6], [sflag:s4] =	dma.local [hbm:s3], $0xF7A  }
0x26: {  	[smem:$0x3F9D] =	sst s1;
	(tag) =	ssettag s2;
	_ =	strace s9  }
0x27: {  	s1 =	sld [smem:$0x3FAD]  }
0x28: {  	s2 =	sld [smem:$0x3FAE]  }
0x29: {  	s4 =	sld [smem:$0x3FB0]  }
0x2a: {  	p0 =	seq.s32 s5, $0x0;
	s5 =	sld [smem:$0x3FB1]  }
0x2b: {  	s6 =	sld [smem:$0x3FB2]  }
0x2c: {  	s7 =	sld [smem:$0x3FB3]  }
0x2d: {  	s3 =	simm.s32 $0x108;
	s8 =	sld [smem:$0x3FB4]  }
0x2e: {  	s3 =	simm.s32 @!p0 $0x1082;
	s9 =	sld [smem:$0x3FB5]  }
0x2f: {  	lr =	sadd.s32 s0, s3;
	s0 =	sld [smem:$0x3FAC]  }
0x30: {  	s3 =	sld [smem:$0x3FAF]  }
0x31: {  	[smem:$0x3FB8] =	sst s10  }
0x32: {  	s10 =	sld [smem:$0x3FB6];
	_ =	sdelay $0x3  }
0x33: {  	p0 =	seq.s32 s10, $0x1;
	s10 =	sld [smem:$0x3FB8];
	_ =	sdelay $0x3  }
0x34: {  	[smem:$0x3FB8] =	sst s10  }
0x35: {  	s10 =	sld [smem:$0x3FB7];
	_ =	sdelay $0x3  }
0x36: {  	p1 =	seq.s32 s10, $0x1;
	s10 =	sld [smem:$0x3FB8];
	_ =	sdelay $0x3  }
0x37: {  	[smem:$0x3FB8] =	sst s10  }
0x38: {  	s10 =	sld [smem:$0x3FB9]  }
0x39: {  	_ = 	snop;
	(pc) =	sbr.ind lr, $3  }
0x3a: {  	_ = 	snop  }
0x3b: {  	_ = 	snop  }
0x3c: {  	p2 =	seq.s32 s10, $0x1;
	s10 =	sld [smem:$0x3FB8]  }
0x3d: {  	_ =	shalt  }
0x3e: {  	_ =	shalt  }
0x3f: {  	_ =	shalt  }
0x40: {  	_ =	shalt  }
0x41: {  	_ =	shalt  }
0x42: {  	_ =	shalt  }
0x43: {  	_ =	shalt  }
0x44: {  	_ =	shalt  }
0x45: {  	_ =	shalt  }
0x46: {  	_ =	shalt  }
0x47: {  	_ =	shalt  }
0x48: {  	_ =	shalt  }
0x49: {  	_ =	shalt  }
0x4a: {  	_ =	shalt  }
0x4b: {  	_ =	shalt  }
0x4c: {  	_ =	shalt  }
0x4d: {  	_ =	shalt  }
0x4e: {  	_ =	shalt  }
0x4f: {  	_ =	shalt  }
0x50: {  	_ =	shalt  }
0x51: {  	_ =	shalt  }
0x52: {  	_ =	shalt  }
0x53: {  	_ =	shalt  }
0x54: {  	_ =	shalt  }
0x55: {  	_ =	shalt  }
0x56: {  	_ =	shalt  }
0x57: {  	_ =	shalt  }
0x58: {  	_ =	shalt  }
0x59: {  	_ =	shalt  }
0x5a: {  	_ =	shalt  }
0x5b: {  	_ =	shalt  }
0x5c: {  	_ =	shalt  }
0x5d: {  	_ =	shalt  }
0x5e: {  	_ =	shalt  }
0x5f: {  	_ =	shalt  }
0x60: {  	_ =	shalt  }
0x61: {  	_ =	shalt  }
0x62: {  	_ =	shalt  }
0x63: {  	_ =	shalt  }
0x64: {  	_ =	shalt  }
0x65: {  	_ =	shalt  }
0x66: {  	_ =	shalt  }
0x67: {  	_ =	shalt  }
0x68: {  	_ =	shalt  }
0x69: {  	_ =	shalt  }
0x6a: {  	_ =	shalt  }
0x6b: {  	_ =	shalt  }
0x6c: {  	_ =	shalt  }
0x6d: {  	_ =	shalt  }
0x6e: {  	_ =	shalt  }
0x6f: {  	_ =	shalt  }
0x70: {  	_ =	shalt  }
0x71: {  	_ =	shalt  }
0x72: {  	_ =	shalt  }
0x73: {  	_ =	shalt  }
0x74: {  	_ =	shalt  }
0x75: {  	_ =	shalt  }
0x76: {  	_ =	shalt  }
0x77: {  	_ =	shalt  }
0x78: {  	_ =	shalt  }
0x79: {  	_ =	shalt  }
0x7a: {  	_ =	shalt  }
0x7b: {  	_ =	shalt  }
0x7c: {  	_ =	shalt  }
0x7d: {  	_ =	shalt  }
0x7e: {  	_ =	shalt  }
0x7f: {  	_ =	shalt  }
0x80: {  	_ =	shalt  }
0x81: {  	_ =	shalt  }
0x82: {  	_ =	shalt  }
0x83: {  	_ =	shalt  }
0x84: {  	_ =	shalt  }
0x85: {  	_ =	shalt  }
0x86: {  	_ =	shalt  }
0x87: {  	_ =	shalt  }
.Lfunc_end0:
.L_simem_size_0:
called_computation_lowered:
.L_overlay_start_0:
0x88: {  	s2 =	sld [smem:$0x3FD9]  }
0x89: {  	s3 =	sld [smem:$0x3FFE];
	_ =	sdelay $0x1  }
0x8a: {  	s1 =	srdreg.scid  }
0x8b: {  	s0 =	sand.u32 $0x1, s1  }
0x8c: {  	s17 =	sshll.u32 s0, $0xA;
	s2 =	sadd.s32 s3, s2  }
0x8d: {  	s2 =	sadd.s32 s2, s17  }
0x8e: {  	[smem:$0x3FC4] =	sst s2  }
0x8f: {  	_ = 	snop  }
0x90: {  	s2 =	sld [smem:$0x3FC7]  }
0x91: {  	s18 =	sld [smem:$0x3FC6];
	(tm) =	ssettm $0x1  }
0x92: {  	s4 =	sld [smem:$0x3FFB];
	_ =	sdelay $0x3  }
0x93: {  	_ =	strace s4  }
0x94: {  	s4 =	sld [smem:$0x3FFC];
	_ =	sdelay $0x3  }
0x95: {  	_ =	strace s4  }
0x96: {  	s4 =	sld [smem:$0x3FFD];
	_ =	sdelay $0x3  }
0x97: {  	_ =	strace s4  }
0x98: {  	_ =	strace $0x8FFFFFFF  }
0x99: {  	s19 =	sld [smem:$0x3FDB];
	_ =	sdelay $0x1  }
0x9a: {  	s5 =	simm.s32 $_scs_section_size  }
0x9b: {  	s6 =	simm.s32 $_size__tile_overlayer_lowered;
	s7 =	simm.s32 $_tile_overlayer_lowered  }
0x9c: {  	s22 =	simm.s32 $0x1BFF;
	s21 =	sshll.u32 s7, $0x1;
	s4 =	sadd.s32 s5, s19  }
0x9d: {  	s8 =	simm.s32 $0x0;
	s20 =	sshll.u32 s6, $0x1;
	s6 =	sadd.s32 s21, s4  }
0x9e: {  	[timem:s8], [sflag:s22] =	dma.local [hbm:s6], s20  }
0x9f: {  	_ =	swait.ge [sflag:s22], s20  }
0xa0: {  	s5 =	ssub.s32 $0x0, s20;
	[sflag:s22] =	ssyncset.done $0x0  }
0xa1: {  	[sflag:s22] =	ssyncadd.s32 s5;
	_ =	sdelay $0x1  }
0xa2: {  	s23 =	simm.s32 $0x1B8B  }
0xa3: {  	_ =	swait.ge [sflag:s23], $0x1  }
0xa4: {  	[sflag:s23] =	ssyncset.done $0x0  }
0xa5: {  	s25 =	simm.s32 $0x1B8E;
	s24 =	sld [smem:$0x3FFE];
	[sflag:s23] =	ssyncadd.s32 $0xFFFFFFFF  }
0xa6: {  	s26 =	simm.s32 $execute0_lowered;
	[smem:$0x3FD2] =	sst s25  }
0xa7: {  	s6 =	sshll.u32 s26, $0x1;
	_ =	strace $0x80000046;
	[dreg:$0x1] =	wrdreg $0xFFFFFFFF  }
0xa8: {  	s28 =	simm.s32 $_size_execute0_lowered;
	s4 =	sadd.s32 s4, s6;
	[dreg:$0x0] =	wrdreg $0x0  }
0xa9: {  	s6 =	sshll.u32 s28, $0x1;
	[dreg:$0x2] =	wrdreg s4  }
0xaa: {  	[dreg:$0x3] =	wrdreg s6  }
0xab: {  	[dreg:$0x4] =	wrdreg $0xC0  }
0xac: {  	_ =	task [dreg:s8], $0x5FFFF  }
0xad: {  	[dreg:$0x1] =	wrdreg $0xFFFFFFFF  }
0xae: {  	[dreg:$0x0] =	wrdreg $0x60  }
0xaf: {  	[dreg:$0x2] =	wrdreg s2  }
0xb0: {  	[dreg:$0x3] =	wrdreg s18  }
0xb1: {  	[dreg:$0x4] =	wrdreg s24  }
0xb2: {  	[dreg:$0x5] =	wrdreg $0x9  }
0xb3: {  	_ =	task.clear_ibuf [dreg:s8], $0x6FFFF;
	_ =	strace $0x90000046  }
0xb4: {  	s29 =	simm.s32 $0x9;
	_ =	strace $0x80000048  }
0xb5: {  	_ =	swait.ge [sflag:s29], $0x1  }
0xb6: {  	[sflag:s29] =	ssyncadd.s32 $0xFFFFFFFF  }
0xb7: {  	_ =	strace $0x90000048  }
0xb8: {  	_ =	sfence  }
0xb9: {  	s30 =	sld [smem:$0x0];
	_ =	sdelay $0x2  }
0xba: {  	s31 =	sshll.u32 s1, $0xD;
	s1 =	sshrl.u32 s1, $0x2  }
0xbb: {  	s3 =	sand.u32 $0x4000, s31;
	s1 =	sadd.s32 s1, s30  }
0xbc: {  	s0 =	sor.u32 s3, s0;
	s1 =	sshll.u32 s1, $0x11  }
0xbd: {  	s0 =	sor.u32 s1, s0  }
0xbe: {  	s0 =	sadd.s32 $0x8F2B, s0  }
0xbf: {  	[sflag:s0] =	ssyncadd.remote.s32 $0x1  }
0xc0: {  	_ =	sfence.sel $0xFFFF  }
0xc1: {  	[dreg:$0x0] =	wrdreg $0xFFFFFFFF;
	(pc) =	sbr.abs _section_cstart, $3  }
0xc2: {  	[dreg:$0x1] =	wrdreg $0xFFFFFFFF  }
0xc3: {  	_ =	task.clear_ibuf [dreg:s8], $0x2FFFF;
	_ =	strace $0x9FFFFFFF  }
0xc4: {  	(tm) =	ssettm $0x7FFFFFFF  }
0xc5: {  	_ =	shalt  }
tec
execute0_lowered:
.L_overlay_start_1:
0x0: {  	(tag) =	ssettag $0x1  }
0x1: {  	s1 =	rddreg [dreg:$0x0]  }
0x2: {  	s2 =	srdreg.scid;
	s3 =	rddreg [dreg:$0x1]  }
0x3: {  	s0 =	stileid.u32;
	s6 =	rddreg [dreg:$0x2]  }
0x4: {  	s4 =	simm.s32 $0x0;
	s11 =	simm.s32 $0x4500;
	s8 =	smul.u32 $0x10400, s0  }
0x5: {  	s12 =	simm.s32 $0x0;
	s5 =	sand.u32 $0x1, s2;
	s29 =	smul.u32 $0x82, s0  }
0x6: {  	s26 =	sshll.u32 s0, $0x1;
	[smem:$0x7FF] =	sst s4;
	s9 =	smul.u32 $0x8200, s5  }
0x7: {  	s2 =	sor.u32 s5, s26;
	s28 =	ssub.s32 $0x2, s5;
	s30 =	smul.u32 $0x41, s5  }
0x8: {  	s7 =	smul.u32 $0x410, s2;
	s2 =	rddreg [dreg:$0x3];
	_ =	strace $0x80000047  }
0x9: {  	s10 =	sshrl.u32 s28, $0x1;
	s8 =	sadd.s32 s9, s8;
	s9 =	simm.s32 $0x1  }
0xa: {  	s6 =	sadd.s32 s7, s6;
	s7 =	ssub.s32 s28, s10;
	s8 =	sor.u32 $0x1C0, s8  }
0xb: {  	s10 =	simm.s32 $0x3C80;
	s5 =	sadd.s32 $0x800, s6;
	s31 =	sshrl.u32 s8, $0x2  }
0xc: {  	v0 =	vimm.f32 $0.0e+00;
	s6 =	smax.u32 s7, $0x1;
	s8 =	sadd.s32 s30, s29;
	s7 =	sadd.s32 $0x3C80, s31  }
.LBB2_1:
0xd: {  	[tilespmem:s4], [sflag:$0x1] =	stream.linear.gather [hbm4b:s1+s4], $0x3C80, $0x38;
	[tilespmem:$0x6580] =	vst v63  }
0xe: {  	_ =	swait.ge [sflag:s9], $0x3C80  }
0xf: {  	[sflag:s9] =	ssyncset.done $0x0  }
0x10: {  	[sflag:s9] =	ssyncadd.s32 $0xFFFFC380  }
0x11: {  	[tilespmem:s10], [sflag:$0x1] =	stream.linear.gather [hbm4b:s3+s4], $0x880, $0x38;
	[tilespmem:$0x6580] =	vst v63  }
0x12: {  	_ =	swait.ge [sflag:s9], $0x880  }
0x13: {  	[sflag:s9] =	ssyncset.done $0x0  }
0x14: {  	[sflag:s9] =	ssyncadd.s32 $0xFFFFF780  }
0x15: {  	[tilespmem:$0x0] =	vst v0  }
0x16: {  	[tilespmem:$0x3C80] =	vst v0  }
0x17: {  	[tilespmem:$0x10] =	vst v0  }
0x18: {  	[tilespmem:$0x3C90] =	vst v0  }
0x19: {  	[tilespmem:$0x20] =	vst v0  }
0x1a: {  	[tilespmem:$0x3CA0] =	vst v0  }
0x1b: {  	[tilespmem:$0x30] =	vst v0  }
0x1c: {  	[tilespmem:$0x3CB0] =	vst v0  }
0x1d: {  	[tilespmem:$0x3CC0] =	vst v0  }
0x1e: {  	s13 =	smulhi.u32 $0xF0F0F0F1, s8;
	s14 =	sadd.s32 $0x0, s8;
	[tilespmem:$0x50] =	vst v0  }
0x1f: {  	p0 =	sgt.u32 s14, $0x808;
	[tilespmem:$0x3CD0] =	vst v0  }
0x20: {  	s13 =	sshrl.u32 s13, $0x4;
	s14 =	smul.u32 @!p0 $0xF0F1, s14;
	[tilespmem:$0x60] =	vst v0  }
0x21: {  	s13 =	smul.u32 $0xFFFFDE00, s13;
	[tilespmem:$0x3CE0] =	vst v0  }
0x22: {  	s14 =	sshrl.u32 @!p0 s14, $0xD;
	[tilespmem:$0x70] =	vst v0  }
0x23: {  	s13 =	sshra.s32 s13, $0x2;
	s16 =	sand.u32 @!p0 $0x7FF80, s14;
	[tilespmem:$0x3CF0] =	vst v0  }
0x24: {  	s14 =	sadd.s32 s13, s7;
	[tilespmem:$0x40] =	vst v0;
	v1 =	vld @!p0 [tilespmem:s16+$0x0];
	p0 =	por p0, p0  }
0x25: {  	v2 =	vld @!p0 [tilespmem:s14+$0xFFFFFF90];
	_ =	sdelay $0x4  }
0x26: {  	v1 =	vadd.f32 @!p0 v2, v1  }
0x27: {  	s13 =	simm.s32 $0x4540  }
0x28: {  	[tilespmem:s13+$0xFFFFFFC0] =	vst @!p0 v1  }
0x29: {  	v1 =	vld @!p0 [tilespmem:s16+$0x10]  }
0x2a: {  	v2 =	vld @!p0 [tilespmem:s14+$0xFFFFFFA0];
	_ =	sdelay $0x4  }
0x2b: {  	v1 =	vadd.f32 @!p0 v2, v1;
	_ =	sdelay $0x1  }
0x2c: {  	[tilespmem:s13+$0xFFFFFFD0] =	vst @!p0 v1  }
0x2d: {  	v1 =	vld @!p0 [tilespmem:s16+$0x20]  }
0x2e: {  	v2 =	vld @!p0 [tilespmem:s14+$0xFFFFFFB0];
	_ =	sdelay $0x4  }
0x2f: {  	v1 =	vadd.f32 @!p0 v2, v1;
	_ =	sdelay $0x1  }
0x30: {  	[tilespmem:s13+$0xFFFFFFE0] =	vst @!p0 v1  }
0x31: {  	v1 =	vld @!p0 [tilespmem:s16+$0x30]  }
0x32: {  	v2 =	vld @!p0 [tilespmem:s14+$0xFFFFFFC0];
	_ =	sdelay $0x4  }
0x33: {  	v1 =	vadd.f32 @!p0 v2, v1;
	_ =	sdelay $0x1  }
0x34: {  	[tilespmem:s13+$0xFFFFFFF0] =	vst @!p0 v1  }
0x35: {  	v1 =	vld @!p0 [tilespmem:s16+$0x40]  }
0x36: {  	v2 =	vld @!p0 [tilespmem:s14+$0xFFFFFFD0];
	_ =	sdelay $0x4  }
0x37: {  	v1 =	vadd.f32 @!p0 v2, v1;
	_ =	sdelay $0x1  }
0x38: {  	[tilespmem:s13+$0x0] =	vst @!p0 v1  }
0x39: {  	v1 =	vld @!p0 [tilespmem:s16+$0x50]  }
0x3a: {  	v2 =	vld @!p0 [tilespmem:s14+$0xFFFFFFE0];
	_ =	sdelay $0x4  }
0x3b: {  	v1 =	vadd.f32 @!p0 v2, v1;
	_ =	sdelay $0x1  }
0x3c: {  	[tilespmem:s13+$0x10] =	vst @!p0 v1  }
0x3d: {  	v1 =	vld @!p0 [tilespmem:s16+$0x60]  }
0x3e: {  	v2 =	vld @!p0 [tilespmem:s14+$0xFFFFFFF0];
	_ =	sdelay $0x4  }
0x3f: {  	v1 =	vadd.f32 @!p0 v2, v1;
	_ =	sdelay $0x1  }
0x40: {  	s15 =	simm.s32 $0x1;
	[tilespmem:s13+$0x20] =	vst @!p0 v1  }
0x41: {  	s17 =	smov.u32 s7;
	s18 =	smov.u32 s8;
	v1 =	vld @!p0 [tilespmem:s16+$0x70];
	s16 =	simm.s32 $0x45C0  }
.LBB2_2:
0x42: {  	s17 =	sadd.s32 $0x80, s17  }
0x43: {  	v2 =	vld @!p0 [tilespmem:s14+$0x0];
	s18 =	sadd.s32 $0x1, s18;
	s14 =	smov.u32 s15;
	s15 =	sadd.s32 $0x1, s15  }
0x44: {  	p1 =	sne.s32 s15, $0x41  }
0x45: {  	s19 =	smulhi.u32 $0xF0F0F0F1, s18;
	s14 =	sadd.s32 s14, s8  }
0x46: {  	p2 =	sgt.u32 s14, $0x808  }
0x47: {  	s19 =	sshrl.u32 s19, $0x4;
	s14 =	smul.u32 @!p2 $0xF0F1, s14  }
0x48: {  	s19 =	smul.u32 $0xFFFFDE00, s19;
	v1 =	vadd.f32 @!p0 v2, v1  }
0x49: {  	s14 =	sshrl.u32 @!p2 s14, $0xD  }
0x4a: {  	s20 =	sshra.s32 s19, $0x2;
	s19 =	sand.u32 @!p2 $0x7FF80, s14;
	[tilespmem:s13+$0x30] =	vst @!p0 v1;
	s13 =	smov.u32 s16  }
0x4b: {  	s14 =	sadd.s32 s20, s17;
	p0 =	por p2, p2;
	v1 =	vld @!p2 [tilespmem:s19+$0x0]  }
0x4c: {  	v2 =	vld @!p0 [tilespmem:s14+$0xFFFFFF90];
	_ =	sdelay $0x4  }
0x4d: {  	v1 =	vadd.f32 @!p0 v2, v1;
	_ =	sdelay $0x1  }
0x4e: {  	[tilespmem:s16+$0xFFFFFFC0] =	vst @!p0 v1  }
0x4f: {  	v1 =	vld @!p0 [tilespmem:s19+$0x10]  }
0x50: {  	v2 =	vld @!p0 [tilespmem:s14+$0xFFFFFFA0];
	_ =	sdelay $0x4  }
0x51: {  	v1 =	vadd.f32 @!p0 v2, v1;
	_ =	sdelay $0x1  }
0x52: {  	[tilespmem:s16+$0xFFFFFFD0] =	vst @!p0 v1  }
0x53: {  	v1 =	vld @!p0 [tilespmem:s19+$0x20]  }
0x54: {  	v2 =	vld @!p0 [tilespmem:s14+$0xFFFFFFB0];
	_ =	sdelay $0x4  }
0x55: {  	v1 =	vadd.f32 @!p0 v2, v1;
	_ =	sdelay $0x1  }
0x56: {  	[tilespmem:s16+$0xFFFFFFE0] =	vst @!p0 v1  }
0x57: {  	v1 =	vld @!p0 [tilespmem:s19+$0x30]  }
0x58: {  	v2 =	vld @!p0 [tilespmem:s14+$0xFFFFFFC0];
	_ =	sdelay $0x4  }
0x59: {  	v1 =	vadd.f32 @!p0 v2, v1;
	_ =	sdelay $0x1  }
0x5a: {  	[tilespmem:s16+$0xFFFFFFF0] =	vst @!p0 v1  }
0x5b: {  	v1 =	vld @!p0 [tilespmem:s19+$0x40]  }
0x5c: {  	v2 =	vld @!p0 [tilespmem:s14+$0xFFFFFFD0];
	_ =	sdelay $0x4  }
0x5d: {  	v1 =	vadd.f32 @!p0 v2, v1;
	_ =	sdelay $0x1  }
0x5e: {  	[tilespmem:s16+$0x0] =	vst @!p0 v1  }
0x5f: {  	v1 =	vld @!p0 [tilespmem:s19+$0x50]  }
0x60: {  	v2 =	vld @!p0 [tilespmem:s14+$0xFFFFFFE0];
	_ =	sdelay $0x4  }
0x61: {  	v1 =	vadd.f32 @!p0 v2, v1;
	_ =	sdelay $0x1  }
0x62: {  	[tilespmem:s16+$0x10] =	vst @!p0 v1  }
0x63: {  	v1 =	vld @!p0 [tilespmem:s19+$0x60]  }
0x64: {  	v2 =	vld @!p0 [tilespmem:s14+$0xFFFFFFF0];
	_ =	sdelay $0x3  }
.Ltmp0:
0x65: {  	(pc) =	sbr.rel @p1 .LBB2_2-.Ltmp0, $3  }
0x66: {  	v1 =	vadd.f32 @!p0 v2, v1;
	_ =	sdelay $0x1  }
0x67: {  	[tilespmem:s16+$0x20] =	vst @!p0 v1  }
0x68: {  	s16 =	sadd.s32 $0x80, s16;
	v1 =	vld @!p0 [tilespmem:s19+$0x70]  }
0x69: {  	v2 =	vld @!p0 [tilespmem:s14+$0x0];
	_ =	sdelay $0x4  }
0x6a: {  	v1 =	vadd.f32 @!p0 v2, v1  }
0x6b: {  	s12 =	sadd.s32 $0x1, s12  }
0x6c: {  	[tilespmem:s13+$0x30] =	vst @!p0 v1;
	p0 =	sne.s32 s12, s6  }
.Ltmp1:
0x6d: {  	_ = 	snop;
	(pc) =	sbr.rel @p0 .LBB2_1-.Ltmp1, $4  }
0x6e: {  	[hbm4b:s5+s4] =	stream.linear.scatter [tilespmem:s11], [sflag:$0x1], $0x2080, $0x38;
	[tilespmem:$0x6580] =	vst v63  }
0x6f: {  	_ =	swait.ge [sflag:s9], $0x2080  }
0x70: {  	[sflag:s9] =	ssyncset.done $0x0  }
0x71: {  	[sflag:s9] =	ssyncadd.s32 $0xFFFFDF80  }
0x72: {  	_ =	sfence.sel $0x180000  }
0x73: {  	[bflag:$0x0] =	sbarrier.arrive $0xFFFF  }
0x74: {  	p0 =	sne.s32 s0, $0x0;
	_ =	strace $0x90000047  }
0x75: {  	s0 =	sadd.s32 @!p0 $0x100000, s2;
	[bflag:$0x2] =	sbarrier.arrive $0xFFFF  }
0x76: {  	[sflag:s0] =	ssyncadd.tile.s32 @!p0 $0x1;
	_ =	shalt  }
.Lfunc_end2:
_tile_overlayer_lowered:
.L_overlay_start_2:
0x77: {  	(tag) =	ssettag $0x2  }
0x78: {  	s0 =	rddreg [dreg:$0x0];
	s2 =	stileid.u32  }
0x79: {  	s1 =	rddreg [dreg:$0x1];
	p0 =	sne.s32 s2, $0x0  }
0x7a: {  	s3 =	rddreg [dreg:$0x2];
	[bflag:$0x3] =	sbarrier.arrive $0xFFFF;
	s2 =	simm.s32 @!p0 $0x1C01  }
0x7b: {  	[timem:s3], [sflag:s2] =	dma.local @!p0 [hbm:s0], s1  }
0x7c: {  	s0 =	simm.s32 @!p0 $0x1  }
0x7d: {  	_ =	swait.ge @!p0 [sflag:s0], s1  }
0x7e: {  	s1 =	ssub.s32 @!p0 $0x0, s1;
	[sflag:s0] =	ssyncset.done @!p0 $0x0  }
0x7f: {  	[sflag:s0] =	ssyncadd.s32 @!p0 s1  }
0x80: {  	[bflag:$0x3] =	sbarrier.arrive $0xFFFF  }
0x81: {  	_ =	shalt  }

// kernel: _run.7.cloned.1.call-start
scs
__scs_entry_jumppad:
0x0: {  	(pc) =	sbr.rel $0x88, $3  }
0x1: {  	(tag) =	ssettag $0x0;
	lr =	simm.s32 $0x1  }
0x2: {  	[smem:$0x3F9D] =	sst lr;
	_ =	strace $0xD0000000  }
0x3: {  	_ = 	snop  }
0x4: {  	_ = 	snop  }
0x5: {  	_ = 	snop  }
0x6: {  	_ = 	snop  }
0x7: {  	_ = 	snop  }
__scs_overlays_trampoline_lowered:
0x8: {  	[smem:$0x3FAC] =	sst s0  }
0x9: {  	[smem:$0x3FAD] =	sst s1  }
0xa: {  	[smem:$0x3FAE] =	sst s2  }
0xb: {  	[smem:$0x3FAF] =	sst s3  }
0xc: {  	[smem:$0x3FB0] =	sst s4  }
0xd: {  	[smem:$0x3FB1] =	sst s5  }
0xe: {  	[smem:$0x3FB2] =	sst s6  }
0xf: {  	[smem:$0x3FB3] =	sst s7  }
0x10: {  	[smem:$0x3FB4] =	sst s8  }
0x11: {  	[smem:$0x3FB5] =	sst s9;
	s0 =	simm.s32 @!p0 $0x0  }
0x12: {  	s1 =	sld [smem:$0x3F9B];
	s0 =	simm.s32 @p0 $0x1  }
0x13: {  	[smem:$0x3FB6] =	sst s0;
	s0 =	simm.s32 @!p1 $0x0  }
0x14: {  	s2 =	sld [smem:$0x3F9A];
	s0 =	simm.s32 @p1 $0x1  }
0x15: {  	[smem:$0x3FB7] =	sst s0;
	s0 =	simm.s32 @!p2 $0x0  }
0x16: {  	s3 =	sld [smem:$0x3FDB];
	s0 =	simm.s32 @p2 $0x1  }
0x17: {  	s4 =	simm.s32 $0x1BF5;
	[smem:$0x3FB9] =	sst s0  }
0x18: {  	s0 =	sld [smem:$0x3F9C];
	_ =	swait.ge [sflag:s4], $0x0  }
0x19: {  	s7 =	sld [smem:$0x3F9D]  }
0x1a: {  	s8 =	sadd.s32 $0xFFFFE003, lr  }
0x1b: {  	s9 =	sadd.s32 $0xFFFFFEF7, lr;
	s5 =	simm.s32 $0xFFFFFFFF;
	p2 =	slt.u32 s8, $0xFFFFF086  }
0x1c: {  	p1 =	slt.u32 s9, $0xF7A;
	s5 =	simm.s32 @!p2 $0x0  }
0x1d: {  	s5 =	simm.s32 @p1 $0x1;
	p0 =	seq.s32 s7, s2  }
0x1e: {  	s7 =	smul.u32 @!p0 $0xF7A, s2;
	p2 =	seq.s32 @!p0 s5, $0x0  }
0x1f: {  	s9 =	smul.u32 $0xF7A, s1;
	s8 =	simm.s32 @!p0 $0x1BF5;
	p2 =	por !p2, p0  }
0x20: {  	[sflag:s8] =	ssyncset.s32 @!p0 $0xFFFFF086;
	s6 =	sadd.s32 @!p0 s3, s7;
	s7 =	simm.s32 @!p0 $0x108  }
0x21: {  	s3 =	sadd.s32 s3, s9;
	s6 =	sadd.s32 @!p0 $0x88, s6;
	s7 =	simm.s32 @p2 $0x1082  }
0x22: {  	[simem:s7], [sflag:s8] =	dma.local @!p0 [hbm:s6], $0xF7A  }
0x23: {  	s9 =	sor.u32 $0xD0000000, s2;
	s6 =	simm.s32 $0x108;
	_ =	swait.ge @!p0 [sflag:s8], $0x0  }
0x24: {  	s3 =	sadd.s32 $0x88, s3;
	s6 =	simm.s32 @!p1 $0x1082;
	[sflag:s4] =	ssyncset.s32 $0xFFFFF086  }
0x25: {  	[simem:s6], [sflag:s4] =	dma.local [hbm:s3], $0xF7A  }
0x26: {  	[smem:$0x3F9D] =	sst s1;
	(tag) =	ssettag s2;
	_ =	strace s9  }
0x27: {  	s1 =	sld [smem:$0x3FAD]  }
0x28: {  	s2 =	sld [smem:$0x3FAE]  }
0x29: {  	s4 =	sld [smem:$0x3FB0]  }
0x2a: {  	p0 =	seq.s32 s5, $0x0;
	s5 =	sld [smem:$0x3FB1]  }
0x2b: {  	s6 =	sld [smem:$0x3FB2]  }
0x2c: {  	s7 =	sld [smem:$0x3FB3]  }
0x2d: {  	s3 =	simm.s32 $0x108;
	s8 =	sld [smem:$0x3FB4]  }
0x2e: {  	s3 =	simm.s32 @!p0 $0x1082;
	s9 =	sld [smem:$0x3FB5]  }
0x2f: {  	lr =	sadd.s32 s0, s3;
	s0 =	sld [smem:$0x3FAC]  }
0x30: {  	s3 =	sld [smem:$0x3FAF]  }
0x31: {  	[smem:$0x3FB8] =	sst s10  }
0x32: {  	s10 =	sld [smem:$0x3FB6];
	_ =	sdelay $0x3  }
0x33: {  	p0 =	seq.s32 s10, $0x1;
	s10 =	sld [smem:$0x3FB8];
	_ =	sdelay $0x3  }
0x34: {  	[smem:$0x3FB8] =	sst s10  }
0x35: {  	s10 =	sld [smem:$0x3FB7];
	_ =	sdelay $0x3  }
0x36: {  	p1 =	seq.s32 s10, $0x1;
	s10 =	sld [smem:$0x3FB8];
	_ =	sdelay $0x3  }
0x37: {  	[smem:$0x3FB8] =	sst s10  }
0x38: {  	s10 =	sld [smem:$0x3FB9]  }
0x39: {  	_ = 	snop;
	(pc) =	sbr.ind lr, $3  }
0x3a: {  	_ = 	snop  }
0x3b: {  	_ = 	snop  }
0x3c: {  	p2 =	seq.s32 s10, $0x1;
	s10 =	sld [smem:$0x3FB8]  }
0x3d: {  	_ =	shalt  }
0x3e: {  	_ =	shalt  }
0x3f: {  	_ =	shalt  }
0x40: {  	_ =	shalt  }
0x41: {  	_ =	shalt  }
0x42: {  	_ =	shalt  }
0x43: {  	_ =	shalt  }
0x44: {  	_ =	shalt  }
0x45: {  	_ =	shalt  }
0x46: {  	_ =	shalt  }
0x47: {  	_ =	shalt  }
0x48: {  	_ =	shalt  }
0x49: {  	_ =	shalt  }
0x4a: {  	_ =	shalt  }
0x4b: {  	_ =	shalt  }
0x4c: {  	_ =	shalt  }
0x4d: {  	_ =	shalt  }
0x4e: {  	_ =	shalt  }
0x4f: {  	_ =	shalt  }
0x50: {  	_ =	shalt  }
0x51: {  	_ =	shalt  }
0x52: {  	_ =	shalt  }
0x53: {  	_ =	shalt  }
0x54: {  	_ =	shalt  }
0x55: {  	_ =	shalt  }
0x56: {  	_ =	shalt  }
0x57: {  	_ =	shalt  }
0x58: {  	_ =	shalt  }
0x59: {  	_ =	shalt  }
0x5a: {  	_ =	shalt  }
0x5b: {  	_ =	shalt  }
0x5c: {  	_ =	shalt  }
0x5d: {  	_ =	shalt  }
0x5e: {  	_ =	shalt  }
0x5f: {  	_ =	shalt  }
0x60: {  	_ =	shalt  }
0x61: {  	_ =	shalt  }
0x62: {  	_ =	shalt  }
0x63: {  	_ =	shalt  }
0x64: {  	_ =	shalt  }
0x65: {  	_ =	shalt  }
0x66: {  	_ =	shalt  }
0x67: {  	_ =	shalt  }
0x68: {  	_ =	shalt  }
0x69: {  	_ =	shalt  }
0x6a: {  	_ =	shalt  }
0x6b: {  	_ =	shalt  }
0x6c: {  	_ =	shalt  }
0x6d: {  	_ =	shalt  }
0x6e: {  	_ =	shalt  }
0x6f: {  	_ =	shalt  }
0x70: {  	_ =	shalt  }
0x71: {  	_ =	shalt  }
0x72: {  	_ =	shalt  }
0x73: {  	_ =	shalt  }
0x74: {  	_ =	shalt  }
0x75: {  	_ =	shalt  }
0x76: {  	_ =	shalt  }
0x77: {  	_ =	shalt  }
0x78: {  	_ =	shalt  }
0x79: {  	_ =	shalt  }
0x7a: {  	_ =	shalt  }
0x7b: {  	_ =	shalt  }
0x7c: {  	_ =	shalt  }
0x7d: {  	_ =	shalt  }
0x7e: {  	_ =	shalt  }
0x7f: {  	_ =	shalt  }
0x80: {  	_ =	shalt  }
0x81: {  	_ =	shalt  }
0x82: {  	_ =	shalt  }
0x83: {  	_ =	shalt  }
0x84: {  	_ =	shalt  }
0x85: {  	_ =	shalt  }
0x86: {  	_ =	shalt  }
0x87: {  	_ =	shalt  }
.Lfunc_end0:
.L_simem_size_0:
called_computation.1_lowered:
.L_overlay_start_0:
0x88: {  	s2 =	sld [smem:$0x3FD9]  }
0x89: {  	s3 =	sld [smem:$0x3FFE];
	_ =	sdelay $0x1  }
0x8a: {  	s1 =	srdreg.scid  }
0x8b: {  	s0 =	sand.u32 $0x1, s1  }
0x8c: {  	s17 =	sshll.u32 s0, $0xA;
	s2 =	sadd.s32 s3, s2  }
0x8d: {  	s2 =	sadd.s32 s2, s17  }
0x8e: {  	[smem:$0x3FC4] =	sst s2  }
0x8f: {  	_ = 	snop  }
0x90: {  	s2 =	sld [smem:$0x3FC9]  }
0x91: {  	s18 =	sld [smem:$0x3FC8]  }
0x92: {  	s4 =	sld [smem:$0x3FD0];
	(tm) =	ssettm $0x1  }
0x93: {  	s5 =	sld [smem:$0x3FFB];
	_ =	sdelay $0x3  }
0x94: {  	_ =	strace s5  }
0x95: {  	s5 =	sld [smem:$0x3FFC];
	_ =	sdelay $0x3  }
0x96: {  	_ =	strace s5  }
0x97: {  	s5 =	sld [smem:$0x3FFD];
	_ =	sdelay $0x3  }
0x98: {  	_ =	strace s5  }
0x99: {  	_ =	strace $0x8FFFFFFF  }
0x9a: {  	s19 =	sld [smem:$0x3FDB];
	_ =	sdelay $0x1  }
0x9b: {  	s6 =	simm.s32 $_scs_section_size  }
0x9c: {  	s7 =	simm.s32 $_size__tile_overlayer_lowered;
	s8 =	simm.s32 $_tile_overlayer_lowered  }
0x9d: {  	s22 =	simm.s32 $0x1BFF;
	s21 =	sshll.u32 s8, $0x1;
	s5 =	sadd.s32 s6, s19  }
0x9e: {  	s9 =	simm.s32 $0x0;
	s20 =	sshll.u32 s7, $0x1;
	s7 =	sadd.s32 s21, s5  }
0x9f: {  	[timem:s9], [sflag:s22] =	dma.local [hbm:s7], s20  }
0xa0: {  	_ =	swait.ge [sflag:s22], s20  }
0xa1: {  	s6 =	ssub.s32 $0x0, s20;
	[sflag:s22] =	ssyncset.done $0x0  }
0xa2: {  	[sflag:s22] =	ssyncadd.s32 s6;
	_ =	sdelay $0x1  }
0xa3: {  	s23 =	simm.s32 $0x1B8B  }
0xa4: {  	_ =	swait.ge [sflag:s23], $0x1  }
0xa5: {  	[sflag:s23] =	ssyncset.done $0x0  }
0xa6: {  	s25 =	simm.s32 $0x1B8E;
	s24 =	sld [smem:$0x3FFE];
	[sflag:s23] =	ssyncadd.s32 $0xFFFFFFFF  }
0xa7: {  	s26 =	simm.s32 $execute0_lowered;
	[smem:$0x3FD2] =	sst s25  }
0xa8: {  	s7 =	sshll.u32 s26, $0x1;
	_ =	strace $0x80000049;
	[dreg:$0x1] =	wrdreg $0xFFFFFFFF  }
0xa9: {  	s28 =	simm.s32 $_size_execute0_lowered;
	s5 =	sadd.s32 s5, s7;
	[dreg:$0x0] =	wrdreg $0x0  }
0xaa: {  	s7 =	sshll.u32 s28, $0x1;
	[dreg:$0x2] =	wrdreg s5  }
0xab: {  	[dreg:$0x3] =	wrdreg s7  }
0xac: {  	[dreg:$0x4] =	wrdreg $0xC0  }
0xad: {  	_ =	task [dreg:s9], $0x5FFFF  }
0xae: {  	[dreg:$0x1] =	wrdreg $0xFFFFFFFF  }
0xaf: {  	[dreg:$0x0] =	wrdreg $0x60  }
0xb0: {  	[dreg:$0x2] =	wrdreg s2  }
0xb1: {  	[dreg:$0x3] =	wrdreg s18  }
0xb2: {  	[dreg:$0x4] =	wrdreg s24  }
0xb3: {  	[dreg:$0x5] =	wrdreg s4  }
0xb4: {  	[dreg:$0x6] =	wrdreg $0x9  }
0xb5: {  	_ =	task.clear_ibuf [dreg:s9], $0x7FFFF;
	_ =	strace $0x90000049  }
0xb6: {  	s29 =	simm.s32 $0x9;
	_ =	strace $0x8000004B  }
0xb7: {  	_ =	swait.ge [sflag:s29], $0x1  }
0xb8: {  	[sflag:s29] =	ssyncadd.s32 $0xFFFFFFFF  }
0xb9: {  	_ =	strace $0x9000004B  }
0xba: {  	_ =	sfence  }
0xbb: {  	s30 =	sld [smem:$0x0];
	_ =	sdelay $0x2  }
0xbc: {  	s31 =	sshll.u32 s1, $0xD;
	s1 =	sshrl.u32 s1, $0x2  }
0xbd: {  	s3 =	sand.u32 $0x4000, s31;
	s1 =	sadd.s32 s1, s30  }
0xbe: {  	s0 =	sor.u32 s3, s0;
	s1 =	sshll.u32 s1, $0x11  }
0xbf: {  	s0 =	sor.u32 s1, s0  }
0xc0: {  	s0 =	sadd.s32 $0x8F2B, s0  }
0xc1: {  	[sflag:s0] =	ssyncadd.remote.s32 $0x1  }
0xc2: {  	_ =	sfence.sel $0xFFFF  }
0xc3: {  	[dreg:$0x0] =	wrdreg $0xFFFFFFFF;
	(pc) =	sbr.abs _section_cstart, $3  }
0xc4: {  	[dreg:$0x1] =	wrdreg $0xFFFFFFFF  }
0xc5: {  	_ =	task.clear_ibuf [dreg:s9], $0x2FFFF;
	_ =	strace $0x9FFFFFFF  }
0xc6: {  	(tm) =	ssettm $0x7FFFFFFF  }
0xc7: {  	_ =	shalt  }
tec
execute0_lowered:
.L_overlay_start_1:
0x0: {  	(tag) =	ssettag $0x1  }
0x1: {  	s0 =	rddreg [dreg:$0x0]  }
0x2: {  	s1 =	rddreg [dreg:$0x1];
	s2 =	srdreg.scid  }
0x3: {  	s11 =	stileid.u32;
	s3 =	rddreg [dreg:$0x2]  }
0x4: {  	s9 =	rddreg [dreg:$0x3];
	s13 =	simm.s32 $0x80;
	s14 =	simm.s32 $0xC800  }
0x5: {  	s15 =	simm.s32 $0x10800;
	s16 =	simm.s32 $0x14800;
	s17 =	simm.s32 $0x1  }
0x6: {  	s18 =	simm.s32 $0x18800;
	s19 =	simm.s32 $0x2;
	s20 =	simm.s32 $0x5  }
0x7: {  	s21 =	simm.s32 $0x3;
	s22 =	simm.s32 $0x6;
	s6 =	smul.u32 $0xC8000, s11  }
0x8: {  	s4 =	sand.u32 $0x1, s2;
	s23 =	sshll.u32 s11, $0x1;
	s11 =	smul.u32 $0x640000, s11  }
0x9: {  	s2 =	simm.s32 $0x0;
	s3 =	sadd.s32 $0x800, s3;
	s8 =	smul.u32 $0x64000, s4  }
0xa: {  	s5 =	sor.u32 s4, s23;
	[smem:$0x7FF] =	sst s2;
	s24 =	smul.u32 $0x320000, s4  }
0xb: {  	s7 =	ssub.s32 $0x2, s4;
	s23 =	simm.s32 $0x4;
	s5 =	smul.u32 $0xC80, s5  }
0xc: {  	_ =	strace $0x8000004A;
	s10 =	sshrl.u32 s7, $0x1;
	s6 =	sadd.s32 s6, s9  }
0xd: {  	s7 =	ssub.s32 s7, s10;
	s26 =	sadd.s32 s8, s6;
	s29 =	sadd.s32 s24, s11  }
0xe: {  	s11 =	simm.s32 $0x9;
	s0 =	sadd.s32 s0, s5;
	s25 =	sadd.s32 s1, s5  }
0xf: {  	s28 =	smax.u32 s7, $0x1;
	s7 =	sadd.s32 $0x800, s26;
	[dreg:$0x5] =	wrdreg s0  }
0x10: {  	s30 =	sshrl.u32 s29, $0x3;
	s10 =	sor.u32 $0xC000, s29;
	[dreg:$0x6] =	wrdreg s25  }
0x11: {  	s26 =	simm.s32 $0x0;
	[dreg:$0x7] =	wrdreg s28;
	s0 =	sor.u32 $0x8000, s29  }
0x12: {  	s8 =	sadd.s32 s30, s9;
	s31 =	sshrl.u32 s10, $0x3;
	s0 =	sshrl.u32 s0, $0x3  }
0x13: {  	s25 =	simm.s32 $0x8;
	s12 =	sadd.s32 s31, s9;
	s10 =	sadd.s32 s0, s9  }
.LBB2_1:
0x14: {  	s0 =	rddreg [dreg:$0x5]  }
0x15: {  	[tilespmem:s2], [sflag:$0x9] =	stream.linear.gather [hbm4b:s0+s2], $0x6400, $0x38;
	[tilespmem:$0x1C800] =	vst v63  }
0x16: {  	_ =	swait.ge [sflag:s11], $0x6400  }
0x17: {  	[sflag:s11] =	ssyncset.done $0x0  }
0x18: {  	s1 =	simm.s32 $0x6400;
	s31 =	rddreg [dreg:$0x6];
	[sflag:s11] =	ssyncadd.s32 $0xFFFF9C00  }
0x19: {  	[tilespmem:s1], [sflag:$0x9] =	stream.linear.gather [hbm4b:s31+s2], $0x6400, $0x38;
	[tilespmem:$0x1C800] =	vst v63  }
0x1a: {  	_ =	swait.ge [sflag:s11], $0x6400  }
0x1b: {  	[sflag:s11] =	ssyncset.done $0x0  }
0x1c: {  	s0 =	simm.s32 $0x0;
	s1 =	simm.s32 $0x40;
	[sflag:s11] =	ssyncadd.s32 $0xFFFF9C00  }
.LBB2_2:
0x1d: {  	p0 =	sne.s32 s1, $0x18FC0;
	v0 =	vld [tilespmem:s0+$0x0];
	_ =	sdelay $0x1  }
0x1e: {  	v1 =	vld [tilespmem:s0+$0x6400];
	_ =	sdelay $0x1  }
.Ltmp0:
0x1f: {  	(pc) =	sbr.rel @p0 .LBB2_2-.Ltmp0, $3  }
0x20: {  	v0 =	vmul.u32 $0x11, v0;
	_ =	sdelay $0x1  }
0x21: {  	v0 =	vadd.s32 v1, v0  }
0x22: {  	[tilespmem:s0+$0x0] =	vst v0;
	s0 =	sshra.s32 s1, $0x2;
	s1 =	sadd.s32 $0x40, s1  }
0x23: {  	v0 =	vld [tilespmem:s0+$0x0];
	_ =	sdelay $0x1  }
0x24: {  	v1 =	vld [tilespmem:s0+$0x6400];
	_ =	sdelay $0x2  }
0x25: {  	v0 =	vmul.u32 $0x11, v0;
	_ =	sdelay $0x1  }
0x26: {  	v0 =	vadd.s32 v1, v0  }
0x27: {  	s6 =	simm.s32 $0x0;
	p0 =	por $0x1, $0x1;
	[tilespmem:s0+$0x0] =	vst v0  }
0x28: {  	[tilespmem:s14], [sflag:$0x1] =	stream.indirect.gather [hbm4b:s3+s13], $0x80, s6, s13, $0xb8;
	[tilespmem:$0x1C800] =	vst v63  }
0x29: {  	s0 =	simm.s32 @!p0 $0x7  }
0x2a: {  	[tilespmem:s15], [sflag:$0x2] =	stream.indirect.gather [hbm4b:s3+s13], $0x80, s13, s13, $0xb8;
	[tilespmem:$0x1C800] =	vst v63  }
0x2b: {  	_ =	swait.ge @!p0 [sflag:s0], $0x4000  }
0x2c: {  	[sflag:s0] =	ssyncset.done @!p0 $0x0  }
0x2d: {  	s9 =	simm.s32 $0x100;
	[sflag:s0] =	ssyncadd.s32 @!p0 $0xFFFFC000  }
0x2e: {  	[tilespmem:s16], [sflag:$0x3] =	stream.indirect.gather [hbm4b:s3+s13], $0x80, s9, s13, $0xb8;
	[tilespmem:$0x1C800] =	vst v63  }
0x2f: {  	_ =	swait.ge [sflag:s17], $0x4000  }
0x30: {  	[sflag:s17] =	ssyncset.done $0x0  }
0x31: {  	s0 =	simm.s32 @!p0 $0x8;
	[sflag:s17] =	ssyncadd.s32 $0xFFFFC000  }
0x32: {  	[hbm4b:s8+s2] =	stream.linear.scatter [tilespmem:s14], [sflag:$0x5], $0x4000, $0x38;
	[tilespmem:$0x1C800] =	vst v63  }
0x33: {  	_ =	swait.ge @!p0 [sflag:s0], $0x4000  }
0x34: {  	[sflag:s0] =	ssyncset.done @!p0 $0x0  }
0x35: {  	s24 =	simm.s32 $0x180;
	[sflag:s0] =	ssyncadd.s32 @!p0 $0xFFFFC000  }
0x36: {  	[tilespmem:s18], [sflag:$0x4] =	stream.indirect.gather [hbm4b:s3+s13], $0x80, s24, s13, $0xb8;
	[tilespmem:$0x1C800] =	vst v63  }
0x37: {  	_ =	swait.ge [sflag:s19], $0x4000  }
0x38: {  	[sflag:s19] =	ssyncset.done $0x0  }
0x39: {  	[sflag:s19] =	ssyncadd.s32 $0xFFFFC000  }
0x3a: {  	[hbm4b:s7+s2] =	stream.linear.scatter [tilespmem:s15], [sflag:$0x6], $0x4000, $0x38;
	[tilespmem:$0x1C800] =	vst v63  }
0x3b: {  	p0 =	por $0x0, $0x0;
	_ =	swait.ge [sflag:s20], $0x4000  }
0x3c: {  	s0 =	simm.s32 @!p0 $0xC800;
	[sflag:s20] =	ssyncset.done $0x0  }
0x3d: {  	s1 =	simm.s32 @!p0 $0x200;
	s9 =	simm.s32 @!p0 $0x80;
	[sflag:s20] =	ssyncadd.s32 $0xFFFFC000  }
0x3e: {  	[tilespmem:s0], [sflag:$0x1] =	stream.indirect.gather @!p0 [hbm4b:s3+s9], $0x80, s1, s9, $0xb8;
	[tilespmem:$0x1C800] =	vst v63  }
0x3f: {  	_ =	swait.ge [sflag:s21], $0x4000  }
0x40: {  	[sflag:s21] =	ssyncset.done $0x0  }
0x41: {  	[sflag:s21] =	ssyncadd.s32 $0xFFFFC000  }
0x42: {  	[hbm4b:s10+s2] =	stream.linear.scatter [tilespmem:s16], [sflag:$0x7], $0x4000, $0x38;
	[tilespmem:$0x1C800] =	vst v63  }
0x43: {  	s30 =	simm.s32 $0x800;
	s29 =	sadd.s32 $0x2000, s10;
	_ =	swait.ge [sflag:s22], $0x4000  }
0x44: {  	p1 =	por $0x0, $0x0;
	s31 =	sadd.s32 $0x2000, s7;
	[sflag:s22] =	ssyncset.done $0x0  }
0x45: {  	s28 =	simm.s32 @!p0 $0x10800;
	s1 =	simm.s32 @!p0 $0x280;
	[sflag:s22] =	ssyncadd.s32 $0xFFFFC000  }
0x46: {  	[tilespmem:s28], [sflag:$0x2] =	stream.indirect.gather @!p0 [hbm4b:s3+s9], $0x80, s1, s9, $0xb8;
	[tilespmem:$0x1C800] =	vst v63  }
0x47: {  	s0 =	simm.s32 $0x1000;
	s1 =	sadd.s32 $0x2000, s8;
	_ =	swait.ge [sflag:s23], $0x4000  }
0x48: {  	s28 =	sadd.s32 $0x2000, s12;
	s9 =	smov.u32 s12;
	[sflag:s23] =	ssyncset.done $0x0  }
.LBB2_4:
0x49: {  	s4 =	simm.s32 @!p1 $0x7  }
0x4a: {  	[sflag:s23] =	ssyncadd.s32 $0xFFFFC000;
	s5 =	smov.u32 s0;
	s0 =	sadd.s32 $0x800, s0  }
0x4b: {  	[hbm4b:s9+s2] =	stream.linear.scatter [tilespmem:s18], [sflag:$0x8], $0x4000, $0x38;
	[tilespmem:$0x1C800] =	vst v63  }
0x4c: {  	p0 =	sne.s32 s0, $0x19000;
	s9 =	smov.u32 s28;
	_ =	swait.ge @!p1 [sflag:s4], $0x4000  }
0x4d: {  	s6 =	sshra.s32 s30, $0x2;
	[sflag:s4] =	ssyncset.done @!p1 $0x0  }
0x4e: {  	[sflag:s4] =	ssyncadd.s32 @!p1 $0xFFFFC000;
	s4 =	sadd.s32 $0x100, s6  }
0x4f: {  	[tilespmem:s16], [sflag:$0x3] =	stream.indirect.gather [hbm4b:s3+s13], $0x80, s4, s13, $0xb8;
	[tilespmem:$0x1C800] =	vst v63  }
0x50: {  	_ =	swait.ge [sflag:s17], $0x4000  }
0x51: {  	[sflag:s17] =	ssyncset.done $0x0  }
0x52: {  	s4 =	simm.s32 @!p1 $0x8;
	[sflag:s17] =	ssyncadd.s32 $0xFFFFC000  }
0x53: {  	[hbm4b:s1+s2] =	stream.linear.scatter [tilespmem:s14], [sflag:$0x5], $0x4000, $0x38;
	[tilespmem:$0x1C800] =	vst v63  }
0x54: {  	_ =	swait.ge @!p1 [sflag:s4], $0x4000  }
0x55: {  	[sflag:s4] =	ssyncset.done @!p1 $0x0  }
0x56: {  	[sflag:s4] =	ssyncadd.s32 @!p1 $0xFFFFC000;
	s4 =	sadd.s32 $0x180, s6  }
0x57: {  	[tilespmem:s18], [sflag:$0x4] =	stream.indirect.gather [hbm4b:s3+s13], $0x80, s4, s13, $0xb8;
	[tilespmem:$0x1C800] =	vst v63  }
0x58: {  	_ =	swait.ge [sflag:s19], $0x4000  }
0x59: {  	[sflag:s19] =	ssyncset.done $0x0  }
0x5a: {  	[sflag:s19] =	ssyncadd.s32 $0xFFFFC000  }
0x5b: {  	[hbm4b:s31+s2] =	stream.linear.scatter [tilespmem:s15], [sflag:$0x6], $0x4000, $0x38;
	[tilespmem:$0x1C800] =	vst v63  }
0x5c: {  	p1 =	seq.s32 s30, $0x18800;
	_ =	swait.ge [sflag:s20], $0x4000  }
0x5d: {  	s4 =	sshra.s32 @!p1 s30, $0x2;
	s6 =	simm.s32 @!p1 $0xC800;
	[sflag:s20] =	ssyncset.done $0x0  }
0x5e: {  	s24 =	simm.s32 @!p1 $0x80;
	s30 =	sadd.s32 @!p1 $0x200, s4;
	[sflag:s20] =	ssyncadd.s32 $0xFFFFC000  }
0x5f: {  	[tilespmem:s6], [sflag:$0x1] =	stream.indirect.gather @!p1 [hbm4b:s3+s24], $0x80, s30, s24, $0xb8;
	[tilespmem:$0x1C800] =	vst v63  }
0x60: {  	s4 =	sadd.s32 @!p1 $0x280, s4;
	s30 =	smov.u32 s5;
	_ =	swait.ge [sflag:s21], $0x4000  }
0x61: {  	[sflag:s21] =	ssyncset.done $0x0  }
0x62: {  	[sflag:s21] =	ssyncadd.s32 $0xFFFFC000  }
0x63: {  	[hbm4b:s29+s2] =	stream.linear.scatter [tilespmem:s16], [sflag:$0x7], $0x4000, $0x38;
	[tilespmem:$0x1C800] =	vst v63  }
0x64: {  	_ =	swait.ge [sflag:s22], $0x4000  }
.Ltmp1:
0x65: {  	[sflag:s22] =	ssyncset.done $0x0;
	(pc) =	sbr.rel @p0 .LBB2_4-.Ltmp1, $4  }
0x66: {  	s5 =	simm.s32 @!p1 $0x10800;
	s29 =	sadd.s32 $0x2000, s29;
	[sflag:s22] =	ssyncadd.s32 $0xFFFFC000  }
0x67: {  	[tilespmem:s5], [sflag:$0x2] =	stream.indirect.gather @!p1 [hbm4b:s3+s24], $0x80, s4, s24, $0xb8;
	[tilespmem:$0x1C800] =	vst v63  }
0x68: {  	s28 =	sadd.s32 $0x2000, s28;
	s1 =	sadd.s32 $0x2000, s1;
	_ =	swait.ge [sflag:s23], $0x4000  }
0x69: {  	s31 =	sadd.s32 $0x2000, s31;
	p1 =	seq.s32 s30, $0x0;
	[sflag:s23] =	ssyncset.done $0x0  }
0x6a: {  	s0 =	simm.s32 @!p1 $0x7;
	[sflag:s23] =	ssyncadd.s32 $0xFFFFC000  }
0x6b: {  	[hbm4b:s9+s2] =	stream.linear.scatter [tilespmem:s18], [sflag:$0x8], $0x4000, $0x38;
	[tilespmem:$0x1C800] =	vst v63  }
0x6c: {  	_ =	swait.ge @!p1 [sflag:s0], $0x4000  }
0x6d: {  	s4 =	sshra.s32 s30, $0x2;
	[sflag:s0] =	ssyncset.done @!p1 $0x0  }
0x6e: {  	s9 =	sadd.s32 $0x100, s4;
	[sflag:s0] =	ssyncadd.s32 @!p1 $0xFFFFC000  }
0x6f: {  	[tilespmem:s16], [sflag:$0x3] =	stream.indirect.gather [hbm4b:s3+s13], $0x80, s9, s13, $0xb8;
	[tilespmem:$0x1C800] =	vst v63  }
0x70: {  	_ =	swait.ge [sflag:s17], $0x4000  }
0x71: {  	[sflag:s17] =	ssyncset.done $0x0  }
0x72: {  	s0 =	simm.s32 @!p1 $0x8;
	[sflag:s17] =	ssyncadd.s32 $0xFFFFC000  }
0x73: {  	[hbm4b:s1+s2] =	stream.linear.scatter [tilespmem:s14], [sflag:$0x5], $0x4000, $0x38;
	[tilespmem:$0x1C800] =	vst v63  }
0x74: {  	_ =	swait.ge @!p1 [sflag:s0], $0x4000  }
0x75: {  	[sflag:s0] =	ssyncset.done @!p1 $0x0  }
0x76: {  	s24 =	sadd.s32 $0x180, s4;
	[sflag:s0] =	ssyncadd.s32 @!p1 $0xFFFFC000  }
0x77: {  	[tilespmem:s18], [sflag:$0x4] =	stream.indirect.gather [hbm4b:s3+s13], $0x80, s24, s13, $0xb8;
	[tilespmem:$0x1C800] =	vst v63  }
0x78: {  	_ =	swait.ge [sflag:s19], $0x4000  }
0x79: {  	[sflag:s19] =	ssyncset.done $0x0  }
0x7a: {  	[sflag:s19] =	ssyncadd.s32 $0xFFFFC000  }
0x7b: {  	[hbm4b:s31+s2] =	stream.linear.scatter [tilespmem:s15], [sflag:$0x6], $0x4000, $0x38;
	[tilespmem:$0x1C800] =	vst v63  }
0x7c: {  	p0 =	seq.s32 s30, $0x18800;
	_ =	swait.ge [sflag:s20], $0x4000  }
0x7d: {  	s5 =	simm.s32 @!p0 $0x80;
	s0 =	sshra.s32 @!p0 s30, $0x2;
	[sflag:s20] =	ssyncset.done $0x0  }
0x7e: {  	s1 =	simm.s32 @!p0 $0xC800;
	s4 =	sadd.s32 @!p0 $0x200, s0;
	[sflag:s20] =	ssyncadd.s32 $0xFFFFC000  }
0x7f: {  	[tilespmem:s1], [sflag:$0x1] =	stream.indirect.gather @!p0 [hbm4b:s3+s5], $0x80, s4, s5, $0xb8;
	[tilespmem:$0x1C800] =	vst v63  }
0x80: {  	_ =	swait.ge [sflag:s21], $0x4000  }
0x81: {  	[sflag:s21] =	ssyncset.done $0x0  }
0x82: {  	[sflag:s21] =	ssyncadd.s32 $0xFFFFC000  }
0x83: {  	[hbm4b:s29+s2] =	stream.linear.scatter [tilespmem:s16], [sflag:$0x7], $0x4000, $0x38;
	[tilespmem:$0x1C800] =	vst v63  }
0x84: {  	_ =	swait.ge [sflag:s22], $0x4000  }
0x85: {  	[sflag:s22] =	ssyncset.done $0x0  }
0x86: {  	s0 =	sadd.s32 @!p0 $0x280, s0;
	s1 =	simm.s32 @!p0 $0x10800;
	[sflag:s22] =	ssyncadd.s32 $0xFFFFC000  }
0x87: {  	[tilespmem:s1], [sflag:$0x2] =	stream.indirect.gather @!p0 [hbm4b:s3+s5], $0x80, s0, s5, $0xb8;
	[tilespmem:$0x1C800] =	vst v63  }
0x88: {  	_ =	swait.ge [sflag:s23], $0x4000  }
0x89: {  	[sflag:s23] =	ssyncset.done $0x0  }
0x8a: {  	s30 =	simm.s32 $0x7;
	[sflag:s23] =	ssyncadd.s32 $0xFFFFC000  }
0x8b: {  	[hbm4b:s28+s2] =	stream.linear.scatter [tilespmem:s18], [sflag:$0x8], $0x4000, $0x38;
	[tilespmem:$0x1C800] =	vst v63  }
0x8c: {  	_ =	swait.ge [sflag:s30], $0x4000  }
0x8d: {  	[sflag:s30] =	ssyncset.done $0x0  }
0x8e: {  	[sflag:s30] =	ssyncadd.s32 $0xFFFFC000  }
0x8f: {  	_ =	swait.ge [sflag:s25], $0x4000  }
0x90: {  	s26 =	sadd.s32 $0x1, s26;
	s31 =	rddreg [dreg:$0x7]  }
0x91: {  	p0 =	sne.s32 s26, s31  }
.Ltmp2:
0x92: {  	_ = 	snop;
	(pc) =	sbr.rel @p0 .LBB2_1-.Ltmp2, $3  }
0x93: {  	_ =	sdelay $0x1  }
0x94: {  	[sflag:s25] =	ssyncset.done $0x0  }
0x95: {  	[sflag:s25] =	ssyncadd.s32 $0xFFFFC000  }
0x96: {  	_ =	sfence.sel $0x180000  }
0x97: {  	[bflag:$0x0] =	sbarrier.arrive $0xFFFF  }
0x98: {  	_ =	strace $0x9000004A  }
0x99: {  	s0 =	stileid.u32;
	[bflag:$0x2] =	sbarrier.arrive $0xFFFF  }
0x9a: {  	p0 =	sne.s32 s0, $0x0;
	s0 =	rddreg [dreg:$0x4]  }
0x9b: {  	s0 =	sadd.s32 @!p0 $0x100000, s0  }
0x9c: {  	[sflag:s0] =	ssyncadd.tile.s32 @!p0 $0x1;
	_ =	shalt  }
.Lfunc_end2:
_tile_overlayer_lowered:
.L_overlay_start_2:
0x9d: {  	(tag) =	ssettag $0x2  }
0x9e: {  	s0 =	rddreg [dreg:$0x0];
	s2 =	stileid.u32  }
0x9f: {  	s1 =	rddreg [dreg:$0x1];
	p0 =	sne.s32 s2, $0x0  }
0xa0: {  	s3 =	rddreg [dreg:$0x2];
	[bflag:$0x3] =	sbarrier.arrive $0xFFFF;
	s2 =	simm.s32 @!p0 $0x1C09  }
0xa1: {  	[timem:s3], [sflag:s2] =	dma.local @!p0 [hbm:s0], s1  }
0xa2: {  	s0 =	simm.s32 @!p0 $0x9  }
0xa3: {  	_ =	swait.ge @!p0 [sflag:s0], s1  }
0xa4: {  	s1 =	ssub.s32 @!p0 $0x0, s1;
	[sflag:s0] =	ssyncset.done @!p0 $0x0  }
0xa5: {  	[sflag:s0] =	ssyncadd.s32 @!p0 s1  }
0xa6: {  	[bflag:$0x3] =	sbarrier.arrive $0xFFFF  }
0xa7: {  	_ =	shalt  }

</sc_bundles>
